<compile_context>
chip_gen: v7x
topology: tpu7x:2x2x1
jax: 0.10.2.dev20260603
libtpu: 0.0.44.dev20260713+nightly
codegen_flags: <defaults>
</compile_context>

<pallas_src>
import functools

import jax
import jax.numpy as jnp
import numpy as np
from jax import lax
from jax.experimental import pallas as pl
from jax.experimental.pallas import tpu as pltpu
from jax.experimental.pallas import tpu_sc as plsc

_N = 10000
_E = 320000
_DF = 128
_LAT = 7
_HP = 16
_SP_INV1 = float(np.log(np.expm1(1.0)))

_CHUNK = 128
_NCHUNKS = _E // _CHUNK
_NC = 2
_NS = 16
_NW = _NC * _NS
_CPW_LO = _NCHUNKS // _NW
_CPW_REM = _NCHUNKS - _CPW_LO * _NW
_NP = 10112
_RPT = _NP // _NS

_ROWS_BLK = 2000
_GRID = _N // _ROWS_BLK

_sc_mesh = plsc.VectorSubcoreMesh(core_axis_name="c", subcore_axis_name="s")


@functools.partial(
    pl.kernel,
    out_type=jax.ShapeDtypeStruct((_NC, _NP, _HP), jnp.float32),
    mesh=_sc_mesh,
    scratch_types=[
        pltpu.VMEM((_CHUNK,), jnp.int32),
        pltpu.VMEM((_CHUNK,), jnp.int32),
        pltpu.VMEM((_CHUNK,), jnp.float32),
        pltpu.VMEM((_CHUNK, _HP), jnp.float32),
        pltpu.VMEM((_RPT, _HP), jnp.float32),
        pltpu.VMEM_SHARED((_NP, _HP), jnp.float32),
        pltpu.SemaphoreType.DMA,
    ],
    compiler_params=pltpu.CompilerParams(use_tc_tiling_on_sc=False),
)
def _spmm_sc(h_hbm, ei_hbm, w_hbm, out_hbm, rvm, cvm, wvm, gvm, zvm, acc, sem):
    c = lax.axis_index("c")
    s = lax.axis_index("s")
    wid = c * _NS + s

    zero_row = jnp.zeros((_HP,), jnp.float32)

    def _zero(i, carry):
        zvm[i, :] = zero_row
        return carry

    lax.fori_loop(0, _RPT, _zero, 0)
    pltpu.sync_copy(zvm, acc.at[pl.ds(s * _RPT, _RPT)])
    plsc.subcore_barrier()

    start = wid * _CPW_LO + jnp.minimum(wid, _CPW_REM)
    count = _CPW_LO + jnp.where(wid < _CPW_REM, 1, 0)

    def _chunk(j, carry):
        base = pl.multiple_of((start + j) * _CHUNK, _CHUNK)
        pltpu.sync_copy(ei_hbm.at[0, pl.ds(base, _CHUNK)], rvm)
        pltpu.sync_copy(ei_hbm.at[1, pl.ds(base, _CHUNK)], cvm)
        pltpu.sync_copy(w_hbm.at[pl.ds(base, _CHUNK)], wvm)
        pltpu.async_copy(h_hbm.at[cvm], gvm, sem).wait()

        def _scale(g, inner):
            base16 = pl.multiple_of(g * 16, 16)
            wv = wvm[pl.ds(base16, 16)]
            for e in range(16):
                gvm[base16 + e, :] = gvm[base16 + e, :] * wv[e]
            return inner

        lax.fori_loop(0, _CHUNK // 16, _scale, 0)
        pltpu.sync_copy(gvm, acc.at[rvm], add=True)
        return carry

    lax.fori_loop(0, count, _chunk, 0)
    plsc.subcore_barrier()
    pltpu.sync_copy(acc.at[pl.ds(s * _RPT, _RPT)],
                    out_hbm.at[c, pl.ds(s * _RPT, _RPT)])


def _mm_body(x_ref, w_ref, o_ref):
    o_ref[...] = jnp.dot(x_ref[...], w_ref[...],
                         preferred_element_type=jnp.float32)


_mm = pl.pallas_call(
    _mm_body,
    grid=(_GRID,),
    in_specs=[
        pl.BlockSpec((_ROWS_BLK, _DF), lambda i: (i, 0)),
        pl.BlockSpec((_DF, _HP), lambda i: (0, 0)),
    ],
    out_specs=pl.BlockSpec((_ROWS_BLK, _HP), lambda i: (i, 0)),
    out_shape=jax.ShapeDtypeStruct((_N, _HP), jnp.float32),
)


def _layer2_body(parts_ref, b_ref, w_ref, o_ref):
    lat = jnp.maximum(parts_ref[0] + parts_ref[1] + b_ref[0], 0.0)
    o_ref[...] = jnp.dot(lat, w_ref[...], preferred_element_type=jnp.float32)


_layer2 = pl.pallas_call(
    _layer2_body,
    grid=(_GRID,),
    in_specs=[
        pl.BlockSpec((_NC, _ROWS_BLK, _HP), lambda i: (0, i, 0)),
        pl.BlockSpec((1, _HP), lambda i: (0, 0)),
        pl.BlockSpec((_HP, _HP), lambda i: (0, 0)),
    ],
    out_specs=pl.BlockSpec((_ROWS_BLK, _HP), lambda i: (i, 0)),
    out_shape=jax.ShapeDtypeStruct((_N, _HP), jnp.float32),
)


def _head_body(parts_ref, b2_ref, wd1_ref, bd1_ref, wd2_ref, bd2_ref, o_ref):
    lat = jnp.maximum(parts_ref[0] + parts_ref[1] + b2_ref[0], 0.0)
    pd = jnp.tanh(jnp.dot(lat, wd1_ref[...],
                          preferred_element_type=jnp.float32) + bd1_ref[0])
    pp = jnp.tanh(jnp.dot(lat, wd2_ref[...],
                          preferred_element_type=jnp.float32) + bd2_ref[0])
    colid = lax.broadcasted_iota(jnp.int32, pd.shape, 1)
    head = jnp.where(colid < _LAT, pd, jax.nn.softplus(pd + _SP_INV1))
    o_ref[...] = jnp.concatenate([head[:, : 2 * _LAT], pp], axis=1)


_head = pl.pallas_call(
    _head_body,
    grid=(_GRID,),
    in_specs=[
        pl.BlockSpec((_NC, _ROWS_BLK, _HP), lambda i: (0, i, 0)),
        pl.BlockSpec((1, _HP), lambda i: (0, 0)),
        pl.BlockSpec((_HP, _HP), lambda i: (0, 0)),
        pl.BlockSpec((1, _HP), lambda i: (0, 0)),
        pl.BlockSpec((_HP, _HP), lambda i: (0, 0)),
        pl.BlockSpec((1, _HP), lambda i: (0, 0)),
    ],
    out_specs=pl.BlockSpec((_ROWS_BLK, 2 * _LAT + _HP), lambda i: (i, 0)),
    out_shape=jax.ShapeDtypeStruct((_N, 2 * _LAT + _HP), jnp.float32),
)


def _pad_w(w, rows, cols):
    return jnp.pad(w, ((0, rows - w.shape[0]), (0, cols - w.shape[1])))


def _pad_b(b):
    return jnp.pad(b, (0, _HP - b.shape[0])).reshape(1, _HP)


def kernel(x, edge_index, edge_weight, W1, b1, W2, b2, Wd1, bd1, Wd2, bd2):
    ei = edge_index.astype(jnp.int32)
    W1p = _pad_w(W1, _DF, _HP)
    W2p = _pad_w(W2, _HP, _HP)
    Wd1p = _pad_w(Wd1, _HP, _HP)
    Wd2p = _pad_w(Wd2, _HP, _HP)

    h1 = _mm(x, W1p)
    s1 = _spmm_sc(h1, ei, edge_weight)
    h2 = _layer2(s1, _pad_b(b1), W2p)
    s2 = _spmm_sc(h2, ei, edge_weight)
    return _head(s2, _pad_b(b2), Wd1p, _pad_b(bd1), Wd2p, _pad_b(bd2))

# --- scband reference (transcript-rebuilt; emitter-appended) ---
"""Pipeline reference for scband-mdgae-tfp2-65549790871682 (READ-ONLY COPY).

The authoritative reference and input builder live on the scoring server;
editing this copy changes nothing except your own understanding.
"""

import jax, jax.numpy as jnp
import numpy as np

N = 10000
E = 320000
D_FEAT = 128
LATENT = 7
RANK = 2
H = 2 * LATENT  # 14, hidden width of both GCN layers
SOFTPLUS_INV_1 = float(np.log(np.expm1(1.0)))  # tfd.softplus_inverse(1.0)


def setup_inputs(seed: int = 0) -> dict:
    key = jax.random.key(seed)
    ks = jax.random.split(key, 12)
    x = jax.random.normal(ks[0], (N, D_FEAT), dtype=jnp.float32)
    edge_index = jax.random.randint(ks[1], (2, E), 0, N)
    edge_weight = jax.random.uniform(ks[2], (E,), dtype=jnp.float32)
    # GraphConvolution layer 1: in=128 -> out=2*latent_dim=14
    W1 = jax.random.normal(ks[3], (D_FEAT, H), dtype=jnp.float32) * 0.05
    b1 = jnp.zeros((H,), dtype=jnp.float32)
    # GraphConvolution layer 2: 14 -> 14
    W2 = jax.random.normal(ks[4], (H, H), dtype=jnp.float32) * 0.05
    b2 = jnp.zeros((H,), dtype=jnp.float32)
    # dense1: 14 -> 2*latent_dim=14 (loc + raw scale_diag)
    Wd1 = jax.random.normal(ks[5], (H, 2 * LATENT), dtype=jnp.float32) * 0.05
    bd1 = jnp.zeros((2 * LATENT,), dtype=jnp.float32)
    # dense2: 14 -> (latent_dim+1)*perturb_rank = 16 (perturb_U + perturb_m)
    Wd2 = jax.random.normal(ks[6], (H, (LATENT + 1) * RANK), dtype=jnp.float32) * 0.05
    bd2 = jnp.zeros(((LATENT + 1) * RANK,), dtype=jnp.float32)
    return {
        "x": x, "edge_index": edge_index, "edge_weight": edge_weight,
        "W1": W1, "b1": b1, "W2": W2, "b2": b2,
        "Wd1": Wd1, "bd1": bd1, "Wd2": Wd2, "bd2": bd2,
    }


def reference(x, edge_index, edge_weight, W1, b1, W2, b2, Wd1, bd1, Wd2, bd2):
    row = edge_index[0]
    col = edge_index[1]

    def spmm(h):
        # sparse adjacency (values=edge_weight) times dense h: out[row] += w * h[col]
        gathered = edge_weight[:, None] * jnp.take(h, col, axis=0)
        return jax.ops.segment_sum(gathered, row, num_segments=N)

    # GraphConvolution: A @ (X W) + b, relu
    latent = jax.nn.relu(spmm(x @ W1) + b1)
    latent = jax.nn.relu(spmm(latent @ W2) + b2)
    param_dist = jnp.tanh(latent @ Wd1 + bd1)
    param_perturb = jnp.tanh(latent @ Wd2 + bd2)
    loc = param_dist[..., :LATENT]
    scale_diag = jax.nn.softplus(param_dist[..., LATENT:] + SOFTPLUS_INV_1)
    perturb_U = param_perturb[..., : LATENT * RANK]  # reshaped to [N, LATENT, RANK] by consumer
    perturb_m = param_perturb[..., LATENT * RANK:]
    # Distribution parameters of MultivariateNormalDiagPlusLowRank, concatenated
    return jnp.concatenate([loc, scale_diag, perturb_U, perturb_m], axis=-1)

if __name__ == "__main__":
    import jax
    _d = setup_inputs()
    print(jax.jit(kernel)(*tuple(_d.values())))

</pallas_src>

<mosaic_0001>
#map = affine_map<(d0, d1) -> (0, 0)>
#map1 = affine_map<(d0, d1) -> (0)>
#map2 = affine_map<(d0, d1) -> (0, 0, 0)>
module attributes {stable_mosaic.version = 14 : i64} {
  func.func @_spmm_sc(%arg0: i32, %arg1: i32, %arg2: memref<10000x16xf32, #tpu.memory_space<hbm>>, %arg3: memref<2x320000xi32, #tpu.memory_space<hbm>>, %arg4: memref<320000xf32, #tpu.memory_space<hbm>>, %arg5: memref<2x10112x16xf32, #tpu.memory_space<hbm>>, %arg6: memref<128xi32, #tpu.memory_space<vmem>>, %arg7: memref<128xi32, #tpu.memory_space<vmem>>, %arg8: memref<128xf32, #tpu.memory_space<vmem>>, %arg9: memref<128x16xf32, #tpu.memory_space<vmem>>, %arg10: memref<632x16xf32, #tpu.memory_space<vmem>>, %arg11: memref<10112x16xf32, #tpu.memory_space<vmem_shared>>, %arg12: memref<!tpu.dma_semaphore, #tpu.memory_space<semaphore_mem>>) attributes {dimension_semantics = [#tpu.dimension_semantics<core_parallel>, #tpu.dimension_semantics<subcore_parallel>], iteration_bounds = array<i64: 2, 16>, scalar_prefetch = 0 : i64, scratch_operands = 7 : i64, tpu.core_type = #tpu.core_type<sc_vector_subcore>, window_params = [{transform_indices = #map}, {transform_indices = #map}, {transform_indices = #map1}, {transform_indices = #map2}]} {
    %mul3A = arith.constant 16 : i32
    %mul3A_0 = arith.muli %arg0, %mul3A : i32
    %add3A = arith.addi %mul3A_0, %arg1 : i32
    %broadcast_in_dim3A = arith.constant 0.000000e+00 : f32
    %broadcast_in_dim3A_1 = vector.broadcast %broadcast_in_dim3A : f32 to vector<16xf32>
    %scan3A = arith.constant 0 : i32
    %scan3A_2 = arith.constant 0 : i32
    %scan3A_3 = arith.constant 632 : i32
    %scan3A_4 = arith.addi %scan3A_2, %scan3A_3 : i32
    %scan3A_5 = arith.constant 1 : i32
    scf.for %scan3A_31 = %scan3A_2 to %scan3A_4 step %scan3A_5  : i32 {
      %swap3A = arith.index_cast %scan3A_31 : i32 to index
      %swap3A_32 = arith.constant 0 : index
      %swap3A_33 = tpu.vector_load %arg10[%swap3A, %swap3A_32] {strides = array<i32>} : memref<632x16xf32, #tpu.memory_space<vmem>>, vector<1x16xf32>,
      %swap3A_34 = vector.shape_cast %swap3A_33 : vector<1x16xf32> to vector<16xf32>
      %swap3A_35 = vector.shape_cast %broadcast_in_dim3A_1 : vector<16xf32> to vector<1x16xf32>
      tpu.vector_store %arg10[%swap3A, %swap3A_32], %swap3A_35 {strides = array<i32>} : memref<632x16xf32, #tpu.memory_space<vmem>>, vector<1x16xf32>,
    }
    %scan3A_6 = arith.constant 632 : i32
    %mul3A_7 = arith.constant 632 : i32
    %mul3A_8 = arith.muli %arg1, %mul3A_7 : i32
    "tpu.region"() ({
      %run_scoped3A = tpu.sem_alloc : memref<!tpu.dma_semaphore, #tpu.memory_space<semaphore_mem>>
      %dma_start3A = arith.constant 0 : i32
      %dma_start3A_31 = tpu.memref_slice %arg11[%mul3A_8, %dma_start3A] : memref<10112x16xf32, #tpu.memory_space<vmem_shared>> -> memref<632x16xf32, #tpu.memory_space<vmem_shared>>
      %dma_start3A_32 = arith.constant 0 : i32
      %dma_start3A_33 = tpu.memref_slice %arg11[%mul3A_8, %dma_start3A_32] : memref<10112x16xf32, #tpu.memory_space<vmem_shared>> -> memref<632x16xf32, #tpu.memory_space<vmem_shared>>
      tpu.enqueue_dma source(%arg10 : memref<632x16xf32, #tpu.memory_space<vmem>>) target(%dma_start3A_33 : memref<632x16xf32, #tpu.memory_space<vmem_shared>>) target_semaphore(%run_scoped3A : memref<!tpu.dma_semaphore, #tpu.memory_space<semaphore_mem>>)
      %dma_wait3A = arith.constant 0 : i32
      %dma_wait3A_34 = tpu.memref_slice %arg11[%mul3A_8, %dma_wait3A] : memref<10112x16xf32, #tpu.memory_space<vmem_shared>> -> memref<632x16xf32, #tpu.memory_space<vmem_shared>>
      %dma_wait3A_35 = arith.constant 0 : i32
      %dma_wait3A_36 = tpu.memref_slice %arg11[%mul3A_8, %dma_wait3A_35] : memref<10112x16xf32, #tpu.memory_space<vmem_shared>> -> memref<632x16xf32, #tpu.memory_space<vmem_shared>>
      tpu.wait_dma2 semaphore(%run_scoped3A : memref<!tpu.dma_semaphore, #tpu.memory_space<semaphore_mem>>) src(%arg10 : memref<632x16xf32, #tpu.memory_space<vmem>>) dst(%dma_wait3A_36 : memref<632x16xf32, #tpu.memory_space<vmem_shared>>)
      tpu.yield
    }) : () -> ()
    %barrier3A = arith.constant 0 : index
    tpu.barrier barrier_id(%barrier3A)
    %mul3A_9 = arith.constant 78 : i32
    %mul3A_10 = arith.muli %add3A, %mul3A_9 : i32
    %min3A = arith.constant 4 : i32
    %min3A_11 = arith.minsi %add3A, %min3A : i32
    %add3A_12 = arith.addi %mul3A_10, %min3A_11 : i32
    %lt3A = arith.constant 4 : i32
    %lt3A_13 = arith.cmpi slt, %add3A, %lt3A : i32
    %jit3A = arith.constant 1 : i32
    %jit3A_14 = arith.constant 0 : i32
    %select_n3A = arith.select %lt3A_13, %jit3A, %jit3A_14 : i32
    %add3A_15 = arith.constant 78 : i32
    %add3A_16 = arith.addi %add3A_15, %select_n3A : i32
    %while3A = arith.constant 0 : i32
    %while3A_17 = arith.constant 0 : i32
    %while3A_18 = arith.subi %add3A_16, %while3A_17 : i32
    %while3A_19 = arith.addi %while3A_17, %while3A_18 : i32
    %while3A_20 = arith.constant 1 : i32
    %while3A_21 = arith.divsi %while3A_18, %while3A_20 : i32
    %while3A_22 = arith.muli %while3A_21, %while3A_20 : i32
    %while3A_23 = arith.addi %while3A_17, %while3A_22 : i32
    %while3A_24 = arith.constant 1 : i32
    scf.for %while3A_31 = %while3A_17 to %while3A_23 step %while3A_24  : i32 {
      %add3A_32 = arith.addi %add3A_12, %while3A_31 : i32
      %mul3A_33 = arith.constant 128 : i32
      %mul3A_34 = arith.muli %add3A_32, %mul3A_33 : i32
      %multiple_of3A = tpu.assume_multiple %mul3A_34, 128 : i32
      %run_scoped3A = arith.constant 0 : i32
      "tpu.region"() ({
        %run_scoped3A_46 = tpu.sem_alloc : memref<!tpu.dma_semaphore, #tpu.memory_space<semaphore_mem>>
        %dma_start3A_47 = tpu.memref_slice %arg3[%run_scoped3A, %multiple_of3A] : memref<2x320000xi32, #tpu.memory_space<hbm>> -> memref<1x128xi32, #tpu.memory_space<hbm>>
        %dma_start3A_48 = tpu.memref_squeeze %dma_start3A_47 : memref<1x128xi32, #tpu.memory_space<hbm>> -> memref<128xi32, #tpu.memory_space<hbm>>
        %dma_start3A_49 = tpu.memref_slice %arg3[%run_scoped3A, %multiple_of3A] : memref<2x320000xi32, #tpu.memory_space<hbm>> -> memref<1x128xi32, #tpu.memory_space<hbm>>
        %dma_start3A_50 = tpu.memref_squeeze %dma_start3A_49 : memref<1x128xi32, #tpu.memory_space<hbm>> -> memref<128xi32, #tpu.memory_space<hbm>>
        tpu.enqueue_dma source(%dma_start3A_50 : memref<128xi32, #tpu.memory_space<hbm>>) target(%arg6 : memref<128xi32, #tpu.memory_space<vmem>>) target_semaphore(%run_scoped3A_46 : memref<!tpu.dma_semaphore, #tpu.memory_space<semaphore_mem>>)
        %dma_wait3A_51 = tpu.memref_slice %arg3[%run_scoped3A, %multiple_of3A] : memref<2x320000xi32, #tpu.memory_space<hbm>> -> memref<1x128xi32, #tpu.memory_space<hbm>>
        %dma_wait3A_52 = tpu.memref_squeeze %dma_wait3A_51 : memref<1x128xi32, #tpu.memory_space<hbm>> -> memref<128xi32, #tpu.memory_space<hbm>>
        %dma_wait3A_53 = tpu.memref_slice %arg3[%run_scoped3A, %multiple_of3A] : memref<2x320000xi32, #tpu.memory_space<hbm>> -> memref<1x128xi32, #tpu.memory_space<hbm>>
        %dma_wait3A_54 = tpu.memref_squeeze %dma_wait3A_53 : memref<1x128xi32, #tpu.memory_space<hbm>> -> memref<128xi32, #tpu.memory_space<hbm>>
        tpu.wait_dma2 semaphore(%run_scoped3A_46 : memref<!tpu.dma_semaphore, #tpu.memory_space<semaphore_mem>>) src(%dma_wait3A_54 : memref<128xi32, #tpu.memory_space<hbm>>) dst(%arg6 : memref<128xi32, #tpu.memory_space<vmem>>)
        tpu.yield
      }) : () -> ()
      %run_scoped3A_35 = arith.constant 1 : i32
      "tpu.region"() ({
        %run_scoped3A_46 = tpu.sem_alloc : memref<!tpu.dma_semaphore, #tpu.memory_space<semaphore_mem>>
        %dma_start3A_47 = tpu.memref_slice %arg3[%run_scoped3A_35, %multiple_of3A] : memref<2x320000xi32, #tpu.memory_space<hbm>> -> memref<1x128xi32, #tpu.memory_space<hbm>>
        %dma_start3A_48 = tpu.memref_squeeze %dma_start3A_47 : memref<1x128xi32, #tpu.memory_space<hbm>> -> memref<128xi32, #tpu.memory_space<hbm>>
        %dma_start3A_49 = tpu.memref_slice %arg3[%run_scoped3A_35, %multiple_of3A] : memref<2x320000xi32, #tpu.memory_space<hbm>> -> memref<1x128xi32, #tpu.memory_space<hbm>>
        %dma_start3A_50 = tpu.memref_squeeze %dma_start3A_49 : memref<1x128xi32, #tpu.memory_space<hbm>> -> memref<128xi32, #tpu.memory_space<hbm>>
        tpu.enqueue_dma source(%dma_start3A_50 : memref<128xi32, #tpu.memory_space<hbm>>) target(%arg7 : memref<128xi32, #tpu.memory_space<vmem>>) target_semaphore(%run_scoped3A_46 : memref<!tpu.dma_semaphore, #tpu.memory_space<semaphore_mem>>)
        %dma_wait3A_51 = tpu.memref_slice %arg3[%run_scoped3A_35, %multiple_of3A] : memref<2x320000xi32, #tpu.memory_space<hbm>> -> memref<1x128xi32, #tpu.memory_space<hbm>>
        %dma_wait3A_52 = tpu.memref_squeeze %dma_wait3A_51 : memref<1x128xi32, #tpu.memory_space<hbm>> -> memref<128xi32, #tpu.memory_space<hbm>>
        %dma_wait3A_53 = tpu.memref_slice %arg3[%run_scoped3A_35, %multiple_of3A] : memref<2x320000xi32, #tpu.memory_space<hbm>> -> memref<1x128xi32, #tpu.memory_space<hbm>>
        %dma_wait3A_54 = tpu.memref_squeeze %dma_wait3A_53 : memref<1x128xi32, #tpu.memory_space<hbm>> -> memref<128xi32, #tpu.memory_space<hbm>>
        tpu.wait_dma2 semaphore(%run_scoped3A_46 : memref<!tpu.dma_semaphore, #tpu.memory_space<semaphore_mem>>) src(%dma_wait3A_54 : memref<128xi32, #tpu.memory_space<hbm>>) dst(%arg7 : memref<128xi32, #tpu.memory_space<vmem>>)
        tpu.yield
      }) : () -> ()
      "tpu.region"() ({
        %run_scoped3A_46 = tpu.sem_alloc : memref<!tpu.dma_semaphore, #tpu.memory_space<semaphore_mem>>
        %dma_start3A_47 = tpu.memref_slice %arg4[%multiple_of3A] : memref<320000xf32, #tpu.memory_space<hbm>> -> memref<128xf32, #tpu.memory_space<hbm>>
        %dma_start3A_48 = tpu.memref_slice %arg4[%multiple_of3A] : memref<320000xf32, #tpu.memory_space<hbm>> -> memref<128xf32, #tpu.memory_space<hbm>>
        tpu.enqueue_dma source(%dma_start3A_48 : memref<128xf32, #tpu.memory_space<hbm>>) target(%arg8 : memref<128xf32, #tpu.memory_space<vmem>>) target_semaphore(%run_scoped3A_46 : memref<!tpu.dma_semaphore, #tpu.memory_space<semaphore_mem>>)
        %dma_wait3A_49 = tpu.memref_slice %arg4[%multiple_of3A] : memref<320000xf32, #tpu.memory_space<hbm>> -> memref<128xf32, #tpu.memory_space<hbm>>
        %dma_wait3A_50 = tpu.memref_slice %arg4[%multiple_of3A] : memref<320000xf32, #tpu.memory_space<hbm>> -> memref<128xf32, #tpu.memory_space<hbm>>
        tpu.wait_dma2 semaphore(%run_scoped3A_46 : memref<!tpu.dma_semaphore, #tpu.memory_space<semaphore_mem>>) src(%dma_wait3A_50 : memref<128xf32, #tpu.memory_space<hbm>>) dst(%arg8 : memref<128xf32, #tpu.memory_space<vmem>>)
        tpu.yield
      }) : () -> ()
      %dma_start3A = arith.constant 0 : i32
      %dma_start3A_36 = arith.constant 0 : i32
      %dma_start3A_37 = tpu.memref_slice %arg2[%dma_start3A, %dma_start3A_36] : memref<10000x16xf32, #tpu.memory_space<hbm>> -> memref<10000x16xf32, #tpu.memory_space<hbm>>
      tpu.enqueue_indirect_dma source(%dma_start3A_37 : memref<10000x16xf32, #tpu.memory_space<hbm>>) target(%arg9 : memref<128x16xf32, #tpu.memory_space<vmem>>) offsets(%arg7 : memref<128xi32, #tpu.memory_space<vmem>>) semaphore(%arg12 : memref<!tpu.dma_semaphore, #tpu.memory_space<semaphore_mem>>)
      %dma_wait3A = arith.constant 0 : i32
      %dma_wait3A_38 = arith.constant 0 : i32
      %dma_wait3A_39 = tpu.memref_slice %arg2[%dma_wait3A, %dma_wait3A_38] : memref<10000x16xf32, #tpu.memory_space<hbm>> -> memref<10000x16xf32, #tpu.memory_space<hbm>>
      tpu.wait_indirect_dma semaphore(%arg12 : memref<!tpu.dma_semaphore, #tpu.memory_space<semaphore_mem>>) src(%dma_wait3A_39 : memref<10000x16xf32, #tpu.memory_space<hbm>>) dst(%arg9 : memref<128x16xf32, #tpu.memory_space<vmem>>)
      %scan3A_40 = arith.constant 0 : i32
      %scan3A_41 = arith.constant 0 : i32
      %scan3A_42 = arith.constant 8 : i32
      %scan3A_43 = arith.addi %scan3A_41, %scan3A_42 : i32
      %scan3A_44 = arith.constant 1 : i32
      scf.for %scan3A_46 = %scan3A_41 to %scan3A_43 step %scan3A_44  : i32 {
        %mul3A_47 = arith.constant 16 : i32
        %mul3A_48 = arith.muli %scan3A_46, %mul3A_47 : i32
        %multiple_of3A_49 = tpu.assume_multiple %mul3A_48, 16 : i32
        %get3A = arith.index_cast %multiple_of3A_49 : i32 to index
        %get3A_50 = tpu.vector_load %arg8[%get3A] {strides = array<i32>} : memref<128xf32, #tpu.memory_space<vmem>>, vector<16xf32>,
        %get3A_51 = vector.shape_cast %get3A_50 : vector<16xf32> to vector<16xf32>
        %add3A_52 = arith.constant 0 : i32
        %add3A_53 = arith.addi %multiple_of3A_49, %add3A_52 : i32
        %get3A_54 = arith.index_cast %add3A_53 : i32 to index
        %get3A_55 = arith.constant 0 : index
        %get3A_56 = tpu.vector_load %arg9[%get3A_54, %get3A_55] {strides = array<i32>} : memref<128x16xf32, #tpu.memory_space<vmem>>, vector<1x16xf32>,
        %get3A_57 = vector.shape_cast %get3A_56 : vector<1x16xf32> to vector<16xf32>
        %slice3A = vector.extract_strided_slice %get3A_51 {offsets = [0], sizes = [1], strides = [1]} : vector<16xf32> to vector<1xf32>
        %squeeze3A = vector.extract %slice3A[0] : f32 from vector<1xf32>
        %mul3A_58 = vector.broadcast %squeeze3A : f32 to vector<16xf32>
        %mul3A_59 = arith.mulf %get3A_57, %mul3A_58 : vector<16xf32>
        %add3A_60 = arith.constant 0 : i32
        %add3A_61 = arith.addi %multiple_of3A_49, %add3A_60 : i32
        %swap3A = arith.index_cast %add3A_61 : i32 to index
        %swap3A_62 = arith.constant 0 : index
        %swap3A_63 = tpu.vector_load %arg9[%swap3A, %swap3A_62] {strides = array<i32>} : memref<128x16xf32, #tpu.memory_space<vmem>>, vector<1x16xf32>,
        %swap3A_64 = vector.shape_cast %swap3A_63 : vector<1x16xf32> to vector<16xf32>
        %swap3A_65 = vector.shape_cast %mul3A_59 : vector<16xf32> to vector<1x16xf32>
        tpu.vector_store %arg9[%swap3A, %swap3A_62], %swap3A_65 {strides = array<i32>} : memref<128x16xf32, #tpu.memory_space<vmem>>, vector<1x16xf32>,
        %add3A_66 = arith.constant 1 : i32
        %add3A_67 = arith.addi %multiple_of3A_49, %add3A_66 : i32
        %get3A_68 = arith.index_cast %add3A_67 : i32 to index
        %get3A_69 = arith.constant 0 : index
        %get3A_70 = tpu.vector_load %arg9[%get3A_68, %get3A_69] {strides = array<i32>} : memref<128x16xf32, #tpu.memory_space<vmem>>, vector<1x16xf32>,
        %get3A_71 = vector.shape_cast %get3A_70 : vector<1x16xf32> to vector<16xf32>
        %slice3A_72 = vector.extract_strided_slice %get3A_51 {offsets = [1], sizes = [1], strides = [1]} : vector<16xf32> to vector<1xf32>
        %squeeze3A_73 = vector.extract %slice3A_72[0] : f32 from vector<1xf32>
        %mul3A_74 = vector.broadcast %squeeze3A_73 : f32 to vector<16xf32>
        %mul3A_75 = arith.mulf %get3A_71, %mul3A_74 : vector<16xf32>
        %add3A_76 = arith.constant 1 : i32
        %add3A_77 = arith.addi %multiple_of3A_49, %add3A_76 : i32
        %swap3A_78 = arith.index_cast %add3A_77 : i32 to index
        %swap3A_79 = arith.constant 0 : index
        %swap3A_80 = tpu.vector_load %arg9[%swap3A_78, %swap3A_79] {strides = array<i32>} : memref<128x16xf32, #tpu.memory_space<vmem>>, vector<1x16xf32>,
        %swap3A_81 = vector.shape_cast %swap3A_80 : vector<1x16xf32> to vector<16xf32>
        %swap3A_82 = vector.shape_cast %mul3A_75 : vector<16xf32> to vector<1x16xf32>
        tpu.vector_store %arg9[%swap3A_78, %swap3A_79], %swap3A_82 {strides = array<i32>} : memref<128x16xf32, #tpu.memory_space<vmem>>, vector<1x16xf32>,
        %add3A_83 = arith.constant 2 : i32
        %add3A_84 = arith.addi %multiple_of3A_49, %add3A_83 : i32
        %get3A_85 = arith.index_cast %add3A_84 : i32 to index
        %get3A_86 = arith.constant 0 : index
        %get3A_87 = tpu.vector_load %arg9[%get3A_85, %get3A_86] {strides = array<i32>} : memref<128x16xf32, #tpu.memory_space<vmem>>, vector<1x16xf32>,
        %get3A_88 = vector.shape_cast %get3A_87 : vector<1x16xf32> to vector<16xf32>
        %slice3A_89 = vector.extract_strided_slice %get3A_51 {offsets = [2], sizes = [1], strides = [1]} : vector<16xf32> to vector<1xf32>
        %squeeze3A_90 = vector.extract %slice3A_89[0] : f32 from vector<1xf32>
        %mul3A_91 = vector.broadcast %squeeze3A_90 : f32 to vector<16xf32>
        %mul3A_92 = arith.mulf %get3A_88, %mul3A_91 : vector<16xf32>
        %add3A_93 = arith.constant 2 : i32
        %add3A_94 = arith.addi %multiple_of3A_49, %add3A_93 : i32
        %swap3A_95 = arith.index_cast %add3A_94 : i32 to index
        %swap3A_96 = arith.constant 0 : index
        %swap3A_97 = tpu.vector_load %arg9[%swap3A_95, %swap3A_96] {strides = array<i32>} : memref<128x16xf32, #tpu.memory_space<vmem>>, vector<1x16xf32>,
        %swap3A_98 = vector.shape_cast %swap3A_97 : vector<1x16xf32> to vector<16xf32>
        %swap3A_99 = vector.shape_cast %mul3A_92 : vector<16xf32> to vector<1x16xf32>
        tpu.vector_store %arg9[%swap3A_95, %swap3A_96], %swap3A_99 {strides = array<i32>} : memref<128x16xf32, #tpu.memory_space<vmem>>, vector<1x16xf32>,
        %add3A_100 = arith.constant 3 : i32
        %add3A_101 = arith.addi %multiple_of3A_49, %add3A_100 : i32
        %get3A_102 = arith.index_cast %add3A_101 : i32 to index
        %get3A_103 = arith.constant 0 : index
        %get3A_104 = tpu.vector_load %arg9[%get3A_102, %get3A_103] {strides = array<i32>} : memref<128x16xf32, #tpu.memory_space<vmem>>, vector<1x16xf32>,
        %get3A_105 = vector.shape_cast %get3A_104 : vector<1x16xf32> to vector<16xf32>
        %slice3A_106 = vector.extract_strided_slice %get3A_51 {offsets = [3], sizes = [1], strides = [1]} : vector<16xf32> to vector<1xf32>
        %squeeze3A_107 = vector.extract %slice3A_106[0] : f32 from vector<1xf32>
        %mul3A_108 = vector.broadcast %squeeze3A_107 : f32 to vector<16xf32>
        %mul3A_109 = arith.mulf %get3A_105, %mul3A_108 : vector<16xf32>
        %add3A_110 = arith.constant 3 : i32
        %add3A_111 = arith.addi %multiple_of3A_49, %add3A_110 : i32
        %swap3A_112 = arith.index_cast %add3A_111 : i32 to index
        %swap3A_113 = arith.constant 0 : index
        %swap3A_114 = tpu.vector_load %arg9[%swap3A_112, %swap3A_113] {strides = array<i32>} : memref<128x16xf32, #tpu.memory_space<vmem>>, vector<1x16xf32>,
        %swap3A_115 = vector.shape_cast %swap3A_114 : vector<1x16xf32> to vector<16xf32>
        %swap3A_116 = vector.shape_cast %mul3A_109 : vector<16xf32> to vector<1x16xf32>
        tpu.vector_store %arg9[%swap3A_112, %swap3A_113], %swap3A_116 {strides = array<i32>} : memref<128x16xf32, #tpu.memory_space<vmem>>, vector<1x16xf32>,
        %add3A_117 = arith.constant 4 : i32
        %add3A_118 = arith.addi %multiple_of3A_49, %add3A_117 : i32
        %get3A_119 = arith.index_cast %add3A_118 : i32 to index
        %get3A_120 = arith.constant 0 : index
        %get3A_121 = tpu.vector_load %arg9[%get3A_119, %get3A_120] {strides = array<i32>} : memref<128x16xf32, #tpu.memory_space<vmem>>, vector<1x16xf32>,
        %get3A_122 = vector.shape_cast %get3A_121 : vector<1x16xf32> to vector<16xf32>
        %slice3A_123 = vector.extract_strided_slice %get3A_51 {offsets = [4], sizes = [1], strides = [1]} : vector<16xf32> to vector<1xf32>
        %squeeze3A_124 = vector.extract %slice3A_123[0] : f32 from vector<1xf32>
        %mul3A_125 = vector.broadcast %squeeze3A_124 : f32 to vector<16xf32>
        %mul3A_126 = arith.mulf %get3A_122, %mul3A_125 : vector<16xf32>
        %add3A_127 = arith.constant 4 : i32
        %add3A_128 = arith.addi %multiple_of3A_49, %add3A_127 : i32
        %swap3A_129 = arith.index_cast %add3A_128 : i32 to index
        %swap3A_130 = arith.constant 0 : index
        %swap3A_131 = tpu.vector_load %arg9[%swap3A_129, %swap3A_130] {strides = array<i32>} : memref<128x16xf32, #tpu.memory_space<vmem>>, vector<1x16xf32>,
        %swap3A_132 = vector.shape_cast %swap3A_131 : vector<1x16xf32> to vector<16xf32>
        %swap3A_133 = vector.shape_cast %mul3A_126 : vector<16xf32> to vector<1x16xf32>
        tpu.vector_store %arg9[%swap3A_129, %swap3A_130], %swap3A_133 {strides = array<i32>} : memref<128x16xf32, #tpu.memory_space<vmem>>, vector<1x16xf32>,
        %add3A_134 = arith.constant 5 : i32
        %add3A_135 = arith.addi %multiple_of3A_49, %add3A_134 : i32
        %get3A_136 = arith.index_cast %add3A_135 : i32 to index
        %get3A_137 = arith.constant 0 : index
        %get3A_138 = tpu.vector_load %arg9[%get3A_136, %get3A_137] {strides = array<i32>} : memref<128x16xf32, #tpu.memory_space<vmem>>, vector<1x16xf32>,
        %get3A_139 = vector.shape_cast %get3A_138 : vector<1x16xf32> to vector<16xf32>
        %slice3A_140 = vector.extract_strided_slice %get3A_51 {offsets = [5], sizes = [1], strides = [1]} : vector<16xf32> to vector<1xf32>
        %squeeze3A_141 = vector.extract %slice3A_140[0] : f32 from vector<1xf32>
        %mul3A_142 = vector.broadcast %squeeze3A_141 : f32 to vector<16xf32>
        %mul3A_143 = arith.mulf %get3A_139, %mul3A_142 : vector<16xf32>
        %add3A_144 = arith.constant 5 : i32
        %add3A_145 = arith.addi %multiple_of3A_49, %add3A_144 : i32
        %swap3A_146 = arith.index_cast %add3A_145 : i32 to index
        %swap3A_147 = arith.constant 0 : index
        %swap3A_148 = tpu.vector_load %arg9[%swap3A_146, %swap3A_147] {strides = array<i32>} : memref<128x16xf32, #tpu.memory_space<vmem>>, vector<1x16xf32>,
        %swap3A_149 = vector.shape_cast %swap3A_148 : vector<1x16xf32> to vector<16xf32>
        %swap3A_150 = vector.shape_cast %mul3A_143 : vector<16xf32> to vector<1x16xf32>
        tpu.vector_store %arg9[%swap3A_146, %swap3A_147], %swap3A_150 {strides = array<i32>} : memref<128x16xf32, #tpu.memory_space<vmem>>, vector<1x16xf32>,
        %add3A_151 = arith.constant 6 : i32
        %add3A_152 = arith.addi %multiple_of3A_49, %add3A_151 : i32
        %get3A_153 = arith.index_cast %add3A_152 : i32 to index
        %get3A_154 = arith.constant 0 : index
        %get3A_155 = tpu.vector_load %arg9[%get3A_153, %get3A_154] {strides = array<i32>} : memref<128x16xf32, #tpu.memory_space<vmem>>, vector<1x16xf32>,
        %get3A_156 = vector.shape_cast %get3A_155 : vector<1x16xf32> to vector<16xf32>
        %slice3A_157 = vector.extract_strided_slice %get3A_51 {offsets = [6], sizes = [1], strides = [1]} : vector<16xf32> to vector<1xf32>
        %squeeze3A_158 = vector.extract %slice3A_157[0] : f32 from vector<1xf32>
        %mul3A_159 = vector.broadcast %squeeze3A_158 : f32 to vector<16xf32>
        %mul3A_160 = arith.mulf %get3A_156, %mul3A_159 : vector<16xf32>
        %add3A_161 = arith.constant 6 : i32
        %add3A_162 = arith.addi %multiple_of3A_49, %add3A_161 : i32
        %swap3A_163 = arith.index_cast %add3A_162 : i32 to index
        %swap3A_164 = arith.constant 0 : index
        %swap3A_165 = tpu.vector_load %arg9[%swap3A_163, %swap3A_164] {strides = array<i32>} : memref<128x16xf32, #tpu.memory_space<vmem>>, vector<1x16xf32>,
        %swap3A_166 = vector.shape_cast %swap3A_165 : vector<1x16xf32> to vector<16xf32>
        %swap3A_167 = vector.shape_cast %mul3A_160 : vector<16xf32> to vector<1x16xf32>
        tpu.vector_store %arg9[%swap3A_163, %swap3A_164], %swap3A_167 {strides = array<i32>} : memref<128x16xf32, #tpu.memory_space<vmem>>, vector<1x16xf32>,
        %add3A_168 = arith.constant 7 : i32
        %add3A_169 = arith.addi %multiple_of3A_49, %add3A_168 : i32
        %get3A_170 = arith.index_cast %add3A_169 : i32 to index
        %get3A_171 = arith.constant 0 : index
        %get3A_172 = tpu.vector_load %arg9[%get3A_170, %get3A_171] {strides = array<i32>} : memref<128x16xf32, #tpu.memory_space<vmem>>, vector<1x16xf32>,
        %get3A_173 = vector.shape_cast %get3A_172 : vector<1x16xf32> to vector<16xf32>
        %slice3A_174 = vector.extract_strided_slice %get3A_51 {offsets = [7], sizes = [1], strides = [1]} : vector<16xf32> to vector<1xf32>
        %squeeze3A_175 = vector.extract %slice3A_174[0] : f32 from vector<1xf32>
        %mul3A_176 = vector.broadcast %squeeze3A_175 : f32 to vector<16xf32>
        %mul3A_177 = arith.mulf %get3A_173, %mul3A_176 : vector<16xf32>
        %add3A_178 = arith.constant 7 : i32
        %add3A_179 = arith.addi %multiple_of3A_49, %add3A_178 : i32
        %swap3A_180 = arith.index_cast %add3A_179 : i32 to index
        %swap3A_181 = arith.constant 0 : index
        %swap3A_182 = tpu.vector_load %arg9[%swap3A_180, %swap3A_181] {strides = array<i32>} : memref<128x16xf32, #tpu.memory_space<vmem>>, vector<1x16xf32>,
        %swap3A_183 = vector.shape_cast %swap3A_182 : vector<1x16xf32> to vector<16xf32>
        %swap3A_184 = vector.shape_cast %mul3A_177 : vector<16xf32> to vector<1x16xf32>
        tpu.vector_store %arg9[%swap3A_180, %swap3A_181], %swap3A_184 {strides = array<i32>} : memref<128x16xf32, #tpu.memory_space<vmem>>, vector<1x16xf32>,
        %add3A_185 = arith.constant 8 : i32
        %add3A_186 = arith.addi %multiple_of3A_49, %add3A_185 : i32
        %get3A_187 = arith.index_cast %add3A_186 : i32 to index
        %get3A_188 = arith.constant 0 : index
        %get3A_189 = tpu.vector_load %arg9[%get3A_187, %get3A_188] {strides = array<i32>} : memref<128x16xf32, #tpu.memory_space<vmem>>, vector<1x16xf32>,
        %get3A_190 = vector.shape_cast %get3A_189 : vector<1x16xf32> to vector<16xf32>
        %slice3A_191 = vector.extract_strided_slice %get3A_51 {offsets = [8], sizes = [1], strides = [1]} : vector<16xf32> to vector<1xf32>
        %squeeze3A_192 = vector.extract %slice3A_191[0] : f32 from vector<1xf32>
        %mul3A_193 = vector.broadcast %squeeze3A_192 : f32 to vector<16xf32>
        %mul3A_194 = arith.mulf %get3A_190, %mul3A_193 : vector<16xf32>
        %add3A_195 = arith.constant 8 : i32
        %add3A_196 = arith.addi %multiple_of3A_49, %add3A_195 : i32
        %swap3A_197 = arith.index_cast %add3A_196 : i32 to index
        %swap3A_198 = arith.constant 0 : index
        %swap3A_199 = tpu.vector_load %arg9[%swap3A_197, %swap3A_198] {strides = array<i32>} : memref<128x16xf32, #tpu.memory_space<vmem>>, vector<1x16xf32>,
        %swap3A_200 = vector.shape_cast %swap3A_199 : vector<1x16xf32> to vector<16xf32>
        %swap3A_201 = vector.shape_cast %mul3A_194 : vector<16xf32> to vector<1x16xf32>
        tpu.vector_store %arg9[%swap3A_197, %swap3A_198], %swap3A_201 {strides = array<i32>} : memref<128x16xf32, #tpu.memory_space<vmem>>, vector<1x16xf32>,
        %add3A_202 = arith.constant 9 : i32
        %add3A_203 = arith.addi %multiple_of3A_49, %add3A_202 : i32
        %get3A_204 = arith.index_cast %add3A_203 : i32 to index
        %get3A_205 = arith.constant 0 : index
        %get3A_206 = tpu.vector_load %arg9[%get3A_204, %get3A_205] {strides = array<i32>} : memref<128x16xf32, #tpu.memory_space<vmem>>, vector<1x16xf32>,
        %get3A_207 = vector.shape_cast %get3A_206 : vector<1x16xf32> to vector<16xf32>
        %slice3A_208 = vector.extract_strided_slice %get3A_51 {offsets = [9], sizes = [1], strides = [1]} : vector<16xf32> to vector<1xf32>
        %squeeze3A_209 = vector.extract %slice3A_208[0] : f32 from vector<1xf32>
        %mul3A_210 = vector.broadcast %squeeze3A_209 : f32 to vector<16xf32>
        %mul3A_211 = arith.mulf %get3A_207, %mul3A_210 : vector<16xf32>
        %add3A_212 = arith.constant 9 : i32
        %add3A_213 = arith.addi %multiple_of3A_49, %add3A_212 : i32
        %swap3A_214 = arith.index_cast %add3A_213 : i32 to index
        %swap3A_215 = arith.constant 0 : index
        %swap3A_216 = tpu.vector_load %arg9[%swap3A_214, %swap3A_215] {strides = array<i32>} : memref<128x16xf32, #tpu.memory_space<vmem>>, vector<1x16xf32>,
        %swap3A_217 = vector.shape_cast %swap3A_216 : vector<1x16xf32> to vector<16xf32>
        %swap3A_218 = vector.shape_cast %mul3A_211 : vector<16xf32> to vector<1x16xf32>
        tpu.vector_store %arg9[%swap3A_214, %swap3A_215], %swap3A_218 {strides = array<i32>} : memref<128x16xf32, #tpu.memory_space<vmem>>, vector<1x16xf32>,
        %add3A_219 = arith.constant 10 : i32
        %add3A_220 = arith.addi %multiple_of3A_49, %add3A_219 : i32
        %get3A_221 = arith.index_cast %add3A_220 : i32 to index
        %get3A_222 = arith.constant 0 : index
        %get3A_223 = tpu.vector_load %arg9[%get3A_221, %get3A_222] {strides = array<i32>} : memref<128x16xf32, #tpu.memory_space<vmem>>, vector<1x16xf32>,
        %get3A_224 = vector.shape_cast %get3A_223 : vector<1x16xf32> to vector<16xf32>
        %slice3A_225 = vector.extract_strided_slice %get3A_51 {offsets = [10], sizes = [1], strides = [1]} : vector<16xf32> to vector<1xf32>
        %squeeze3A_226 = vector.extract %slice3A_225[0] : f32 from vector<1xf32>
        %mul3A_227 = vector.broadcast %squeeze3A_226 : f32 to vector<16xf32>
        %mul3A_228 = arith.mulf %get3A_224, %mul3A_227 : vector<16xf32>
        %add3A_229 = arith.constant 10 : i32
        %add3A_230 = arith.addi %multiple_of3A_49, %add3A_229 : i32
        %swap3A_231 = arith.index_cast %add3A_230 : i32 to index
        %swap3A_232 = arith.constant 0 : index
        %swap3A_233 = tpu.vector_load %arg9[%swap3A_231, %swap3A_232] {strides = array<i32>} : memref<128x16xf32, #tpu.memory_space<vmem>>, vector<1x16xf32>,
        %swap3A_234 = vector.shape_cast %swap3A_233 : vector<1x16xf32> to vector<16xf32>
        %swap3A_235 = vector.shape_cast %mul3A_228 : vector<16xf32> to vector<1x16xf32>
        tpu.vector_store %arg9[%swap3A_231, %swap3A_232], %swap3A_235 {strides = array<i32>} : memref<128x16xf32, #tpu.memory_space<vmem>>, vector<1x16xf32>,
        %add3A_236 = arith.constant 11 : i32
        %add3A_237 = arith.addi %multiple_of3A_49, %add3A_236 : i32
        %get3A_238 = arith.index_cast %add3A_237 : i32 to index
        %get3A_239 = arith.constant 0 : index
        %get3A_240 = tpu.vector_load %arg9[%get3A_238, %get3A_239] {strides = array<i32>} : memref<128x16xf32, #tpu.memory_space<vmem>>, vector<1x16xf32>,
        %get3A_241 = vector.shape_cast %get3A_240 : vector<1x16xf32> to vector<16xf32>
        %slice3A_242 = vector.extract_strided_slice %get3A_51 {offsets = [11], sizes = [1], strides = [1]} : vector<16xf32> to vector<1xf32>
        %squeeze3A_243 = vector.extract %slice3A_242[0] : f32 from vector<1xf32>
        %mul3A_244 = vector.broadcast %squeeze3A_243 : f32 to vector<16xf32>
        %mul3A_245 = arith.mulf %get3A_241, %mul3A_244 : vector<16xf32>
        %add3A_246 = arith.constant 11 : i32
        %add3A_247 = arith.addi %multiple_of3A_49, %add3A_246 : i32
        %swap3A_248 = arith.index_cast %add3A_247 : i32 to index
        %swap3A_249 = arith.constant 0 : index
        %swap3A_250 = tpu.vector_load %arg9[%swap3A_248, %swap3A_249] {strides = array<i32>} : memref<128x16xf32, #tpu.memory_space<vmem>>, vector<1x16xf32>,
        %swap3A_251 = vector.shape_cast %swap3A_250 : vector<1x16xf32> to vector<16xf32>
        %swap3A_252 = vector.shape_cast %mul3A_245 : vector<16xf32> to vector<1x16xf32>
        tpu.vector_store %arg9[%swap3A_248, %swap3A_249], %swap3A_252 {strides = array<i32>} : memref<128x16xf32, #tpu.memory_space<vmem>>, vector<1x16xf32>,
        %add3A_253 = arith.constant 12 : i32
        %add3A_254 = arith.addi %multiple_of3A_49, %add3A_253 : i32
        %get3A_255 = arith.index_cast %add3A_254 : i32 to index
        %get3A_256 = arith.constant 0 : index
        %get3A_257 = tpu.vector_load %arg9[%get3A_255, %get3A_256] {strides = array<i32>} : memref<128x16xf32, #tpu.memory_space<vmem>>, vector<1x16xf32>,
        %get3A_258 = vector.shape_cast %get3A_257 : vector<1x16xf32> to vector<16xf32>
        %slice3A_259 = vector.extract_strided_slice %get3A_51 {offsets = [12], sizes = [1], strides = [1]} : vector<16xf32> to vector<1xf32>
        %squeeze3A_260 = vector.extract %slice3A_259[0] : f32 from vector<1xf32>
        %mul3A_261 = vector.broadcast %squeeze3A_260 : f32 to vector<16xf32>
        %mul3A_262 = arith.mulf %get3A_258, %mul3A_261 : vector<16xf32>
        %add3A_263 = arith.constant 12 : i32
        %add3A_264 = arith.addi %multiple_of3A_49, %add3A_263 : i32
        %swap3A_265 = arith.index_cast %add3A_264 : i32 to index
        %swap3A_266 = arith.constant 0 : index
        %swap3A_267 = tpu.vector_load %arg9[%swap3A_265, %swap3A_266] {strides = array<i32>} : memref<128x16xf32, #tpu.memory_space<vmem>>, vector<1x16xf32>,
        %swap3A_268 = vector.shape_cast %swap3A_267 : vector<1x16xf32> to vector<16xf32>
        %swap3A_269 = vector.shape_cast %mul3A_262 : vector<16xf32> to vector<1x16xf32>
        tpu.vector_store %arg9[%swap3A_265, %swap3A_266], %swap3A_269 {strides = array<i32>} : memref<128x16xf32, #tpu.memory_space<vmem>>, vector<1x16xf32>,
        %add3A_270 = arith.constant 13 : i32
        %add3A_271 = arith.addi %multiple_of3A_49, %add3A_270 : i32
        %get3A_272 = arith.index_cast %add3A_271 : i32 to index
        %get3A_273 = arith.constant 0 : index
        %get3A_274 = tpu.vector_load %arg9[%get3A_272, %get3A_273] {strides = array<i32>} : memref<128x16xf32, #tpu.memory_space<vmem>>, vector<1x16xf32>,
        %get3A_275 = vector.shape_cast %get3A_274 : vector<1x16xf32> to vector<16xf32>
        %slice3A_276 = vector.extract_strided_slice %get3A_51 {offsets = [13], sizes = [1], strides = [1]} : vector<16xf32> to vector<1xf32>
        %squeeze3A_277 = vector.extract %slice3A_276[0] : f32 from vector<1xf32>
        %mul3A_278 = vector.broadcast %squeeze3A_277 : f32 to vector<16xf32>
        %mul3A_279 = arith.mulf %get3A_275, %mul3A_278 : vector<16xf32>
        %add3A_280 = arith.constant 13 : i32
        %add3A_281 = arith.addi %multiple_of3A_49, %add3A_280 : i32
        %swap3A_282 = arith.index_cast %add3A_281 : i32 to index
        %swap3A_283 = arith.constant 0 : index
        %swap3A_284 = tpu.vector_load %arg9[%swap3A_282, %swap3A_283] {strides = array<i32>} : memref<128x16xf32, #tpu.memory_space<vmem>>, vector<1x16xf32>,
        %swap3A_285 = vector.shape_cast %swap3A_284 : vector<1x16xf32> to vector<16xf32>
        %swap3A_286 = vector.shape_cast %mul3A_279 : vector<16xf32> to vector<1x16xf32>
        tpu.vector_store %arg9[%swap3A_282, %swap3A_283], %swap3A_286 {strides = array<i32>} : memref<128x16xf32, #tpu.memory_space<vmem>>, vector<1x16xf32>,
        %add3A_287 = arith.constant 14 : i32
        %add3A_288 = arith.addi %multiple_of3A_49, %add3A_287 : i32
        %get3A_289 = arith.index_cast %add3A_288 : i32 to index
        %get3A_290 = arith.constant 0 : index
        %get3A_291 = tpu.vector_load %arg9[%get3A_289, %get3A_290] {strides = array<i32>} : memref<128x16xf32, #tpu.memory_space<vmem>>, vector<1x16xf32>,
        %get3A_292 = vector.shape_cast %get3A_291 : vector<1x16xf32> to vector<16xf32>
        %slice3A_293 = vector.extract_strided_slice %get3A_51 {offsets = [14], sizes = [1], strides = [1]} : vector<16xf32> to vector<1xf32>
        %squeeze3A_294 = vector.extract %slice3A_293[0] : f32 from vector<1xf32>
        %mul3A_295 = vector.broadcast %squeeze3A_294 : f32 to vector<16xf32>
        %mul3A_296 = arith.mulf %get3A_292, %mul3A_295 : vector<16xf32>
        %add3A_297 = arith.constant 14 : i32
        %add3A_298 = arith.addi %multiple_of3A_49, %add3A_297 : i32
        %swap3A_299 = arith.index_cast %add3A_298 : i32 to index
        %swap3A_300 = arith.constant 0 : index
        %swap3A_301 = tpu.vector_load %arg9[%swap3A_299, %swap3A_300] {strides = array<i32>} : memref<128x16xf32, #tpu.memory_space<vmem>>, vector<1x16xf32>,
        %swap3A_302 = vector.shape_cast %swap3A_301 : vector<1x16xf32> to vector<16xf32>
        %swap3A_303 = vector.shape_cast %mul3A_296 : vector<16xf32> to vector<1x16xf32>
        tpu.vector_store %arg9[%swap3A_299, %swap3A_300], %swap3A_303 {strides = array<i32>} : memref<128x16xf32, #tpu.memory_space<vmem>>, vector<1x16xf32>,
        %add3A_304 = arith.constant 15 : i32
        %add3A_305 = arith.addi %multiple_of3A_49, %add3A_304 : i32
        %get3A_306 = arith.index_cast %add3A_305 : i32 to index
        %get3A_307 = arith.constant 0 : index
        %get3A_308 = tpu.vector_load %arg9[%get3A_306, %get3A_307] {strides = array<i32>} : memref<128x16xf32, #tpu.memory_space<vmem>>, vector<1x16xf32>,
        %get3A_309 = vector.shape_cast %get3A_308 : vector<1x16xf32> to vector<16xf32>
        %slice3A_310 = vector.extract_strided_slice %get3A_51 {offsets = [15], sizes = [1], strides = [1]} : vector<16xf32> to vector<1xf32>
        %squeeze3A_311 = vector.extract %slice3A_310[0] : f32 from vector<1xf32>
        %mul3A_312 = vector.broadcast %squeeze3A_311 : f32 to vector<16xf32>
        %mul3A_313 = arith.mulf %get3A_309, %mul3A_312 : vector<16xf32>
        %add3A_314 = arith.constant 15 : i32
        %add3A_315 = arith.addi %multiple_of3A_49, %add3A_314 : i32
        %swap3A_316 = arith.index_cast %add3A_315 : i32 to index
        %swap3A_317 = arith.constant 0 : index
        %swap3A_318 = tpu.vector_load %arg9[%swap3A_316, %swap3A_317] {strides = array<i32>} : memref<128x16xf32, #tpu.memory_space<vmem>>, vector<1x16xf32>,
        %swap3A_319 = vector.shape_cast %swap3A_318 : vector<1x16xf32> to vector<16xf32>
        %swap3A_320 = vector.shape_cast %mul3A_313 : vector<16xf32> to vector<1x16xf32>
        tpu.vector_store %arg9[%swap3A_316, %swap3A_317], %swap3A_320 {strides = array<i32>} : memref<128x16xf32, #tpu.memory_space<vmem>>, vector<1x16xf32>,
      }
      %scan3A_45 = arith.constant 8 : i32
      "tpu.region"() ({
        %run_scoped3A_46 = tpu.sem_alloc : memref<!tpu.dma_semaphore, #tpu.memory_space<semaphore_mem>>
        %dma_start3A_47 = arith.constant 0 : i32
        %dma_start3A_48 = arith.constant 0 : i32
        %dma_start3A_49 = tpu.memref_slice %arg11[%dma_start3A_47, %dma_start3A_48] : memref<10112x16xf32, #tpu.memory_space<vmem_shared>> -> memref<10112x16xf32, #tpu.memory_space<vmem_shared>>
        tpu.enqueue_indirect_dma source(%arg9 : memref<128x16xf32, #tpu.memory_space<vmem>>) target(%dma_start3A_49 : memref<10112x16xf32, #tpu.memory_space<vmem_shared>>) offsets(%arg6 : memref<128xi32, #tpu.memory_space<vmem>>) semaphore(%run_scoped3A_46 : memref<!tpu.dma_semaphore, #tpu.memory_space<semaphore_mem>>) {add = true}
        %dma_wait3A_50 = arith.constant 0 : i32
        %dma_wait3A_51 = arith.constant 0 : i32
        %dma_wait3A_52 = tpu.memref_slice %arg11[%dma_wait3A_50, %dma_wait3A_51] : memref<10112x16xf32, #tpu.memory_space<vmem_shared>> -> memref<10112x16xf32, #tpu.memory_space<vmem_shared>>
        tpu.wait_indirect_dma semaphore(%run_scoped3A_46 : memref<!tpu.dma_semaphore, #tpu.memory_space<semaphore_mem>>) src(%arg9 : memref<128x16xf32, #tpu.memory_space<vmem>>) dst(%dma_wait3A_52 : memref<10112x16xf32, #tpu.memory_space<vmem_shared>>)
        tpu.yield
      }) : () -> ()
    }
    %while3A_25 = arith.constant 1 : i32
    scf.for %while3A_31 = %while3A_23 to %while3A_19 step %while3A_25  : i32 {
      %add3A_32 = arith.addi %add3A_12, %while3A_31 : i32
      %mul3A_33 = arith.constant 128 : i32
      %mul3A_34 = arith.muli %add3A_32, %mul3A_33 : i32
      %multiple_of3A = tpu.assume_multiple %mul3A_34, 128 : i32
      %run_scoped3A = arith.constant 0 : i32
      "tpu.region"() ({
        %run_scoped3A_46 = tpu.sem_alloc : memref<!tpu.dma_semaphore, #tpu.memory_space<semaphore_mem>>
        %dma_start3A_47 = tpu.memref_slice %arg3[%run_scoped3A, %multiple_of3A] : memref<2x320000xi32, #tpu.memory_space<hbm>> -> memref<1x128xi32, #tpu.memory_space<hbm>>
        %dma_start3A_48 = tpu.memref_squeeze %dma_start3A_47 : memref<1x128xi32, #tpu.memory_space<hbm>> -> memref<128xi32, #tpu.memory_space<hbm>>
        %dma_start3A_49 = tpu.memref_slice %arg3[%run_scoped3A, %multiple_of3A] : memref<2x320000xi32, #tpu.memory_space<hbm>> -> memref<1x128xi32, #tpu.memory_space<hbm>>
        %dma_start3A_50 = tpu.memref_squeeze %dma_start3A_49 : memref<1x128xi32, #tpu.memory_space<hbm>> -> memref<128xi32, #tpu.memory_space<hbm>>
        tpu.enqueue_dma source(%dma_start3A_50 : memref<128xi32, #tpu.memory_space<hbm>>) target(%arg6 : memref<128xi32, #tpu.memory_space<vmem>>) target_semaphore(%run_scoped3A_46 : memref<!tpu.dma_semaphore, #tpu.memory_space<semaphore_mem>>)
        %dma_wait3A_51 = tpu.memref_slice %arg3[%run_scoped3A, %multiple_of3A] : memref<2x320000xi32, #tpu.memory_space<hbm>> -> memref<1x128xi32, #tpu.memory_space<hbm>>
        %dma_wait3A_52 = tpu.memref_squeeze %dma_wait3A_51 : memref<1x128xi32, #tpu.memory_space<hbm>> -> memref<128xi32, #tpu.memory_space<hbm>>
        %dma_wait3A_53 = tpu.memref_slice %arg3[%run_scoped3A, %multiple_of3A] : memref<2x320000xi32, #tpu.memory_space<hbm>> -> memref<1x128xi32, #tpu.memory_space<hbm>>
        %dma_wait3A_54 = tpu.memref_squeeze %dma_wait3A_53 : memref<1x128xi32, #tpu.memory_space<hbm>> -> memref<128xi32, #tpu.memory_space<hbm>>
        tpu.wait_dma2 semaphore(%run_scoped3A_46 : memref<!tpu.dma_semaphore, #tpu.memory_space<semaphore_mem>>) src(%dma_wait3A_54 : memref<128xi32, #tpu.memory_space<hbm>>) dst(%arg6 : memref<128xi32, #tpu.memory_space<vmem>>)
        tpu.yield
      }) : () -> ()
      %run_scoped3A_35 = arith.constant 1 : i32
      "tpu.region"() ({
        %run_scoped3A_46 = tpu.sem_alloc : memref<!tpu.dma_semaphore, #tpu.memory_space<semaphore_mem>>
        %dma_start3A_47 = tpu.memref_slice %arg3[%run_scoped3A_35, %multiple_of3A] : memref<2x320000xi32, #tpu.memory_space<hbm>> -> memref<1x128xi32, #tpu.memory_space<hbm>>
        %dma_start3A_48 = tpu.memref_squeeze %dma_start3A_47 : memref<1x128xi32, #tpu.memory_space<hbm>> -> memref<128xi32, #tpu.memory_space<hbm>>
        %dma_start3A_49 = tpu.memref_slice %arg3[%run_scoped3A_35, %multiple_of3A] : memref<2x320000xi32, #tpu.memory_space<hbm>> -> memref<1x128xi32, #tpu.memory_space<hbm>>
        %dma_start3A_50 = tpu.memref_squeeze %dma_start3A_49 : memref<1x128xi32, #tpu.memory_space<hbm>> -> memref<128xi32, #tpu.memory_space<hbm>>
        tpu.enqueue_dma source(%dma_start3A_50 : memref<128xi32, #tpu.memory_space<hbm>>) target(%arg7 : memref<128xi32, #tpu.memory_space<vmem>>) target_semaphore(%run_scoped3A_46 : memref<!tpu.dma_semaphore, #tpu.memory_space<semaphore_mem>>)
        %dma_wait3A_51 = tpu.memref_slice %arg3[%run_scoped3A_35, %multiple_of3A] : memref<2x320000xi32, #tpu.memory_space<hbm>> -> memref<1x128xi32, #tpu.memory_space<hbm>>
        %dma_wait3A_52 = tpu.memref_squeeze %dma_wait3A_51 : memref<1x128xi32, #tpu.memory_space<hbm>> -> memref<128xi32, #tpu.memory_space<hbm>>
        %dma_wait3A_53 = tpu.memref_slice %arg3[%run_scoped3A_35, %multiple_of3A] : memref<2x320000xi32, #tpu.memory_space<hbm>> -> memref<1x128xi32, #tpu.memory_space<hbm>>
        %dma_wait3A_54 = tpu.memref_squeeze %dma_wait3A_53 : memref<1x128xi32, #tpu.memory_space<hbm>> -> memref<128xi32, #tpu.memory_space<hbm>>
        tpu.wait_dma2 semaphore(%run_scoped3A_46 : memref<!tpu.dma_semaphore, #tpu.memory_space<semaphore_mem>>) src(%dma_wait3A_54 : memref<128xi32, #tpu.memory_space<hbm>>) dst(%arg7 : memref<128xi32, #tpu.memory_space<vmem>>)
        tpu.yield
      }) : () -> ()
      "tpu.region"() ({
        %run_scoped3A_46 = tpu.sem_alloc : memref<!tpu.dma_semaphore, #tpu.memory_space<semaphore_mem>>
        %dma_start3A_47 = tpu.memref_slice %arg4[%multiple_of3A] : memref<320000xf32, #tpu.memory_space<hbm>> -> memref<128xf32, #tpu.memory_space<hbm>>
        %dma_start3A_48 = tpu.memref_slice %arg4[%multiple_of3A] : memref<320000xf32, #tpu.memory_space<hbm>> -> memref<128xf32, #tpu.memory_space<hbm>>
        tpu.enqueue_dma source(%dma_start3A_48 : memref<128xf32, #tpu.memory_space<hbm>>) target(%arg8 : memref<128xf32, #tpu.memory_space<vmem>>) target_semaphore(%run_scoped3A_46 : memref<!tpu.dma_semaphore, #tpu.memory_space<semaphore_mem>>)
        %dma_wait3A_49 = tpu.memref_slice %arg4[%multiple_of3A] : memref<320000xf32, #tpu.memory_space<hbm>> -> memref<128xf32, #tpu.memory_space<hbm>>
        %dma_wait3A_50 = tpu.memref_slice %arg4[%multiple_of3A] : memref<320000xf32, #tpu.memory_space<hbm>> -> memref<128xf32, #tpu.memory_space<hbm>>
        tpu.wait_dma2 semaphore(%run_scoped3A_46 : memref<!tpu.dma_semaphore, #tpu.memory_space<semaphore_mem>>) src(%dma_wait3A_50 : memref<128xf32, #tpu.memory_space<hbm>>) dst(%arg8 : memref<128xf32, #tpu.memory_space<vmem>>)
        tpu.yield
      }) : () -> ()
      %dma_start3A = arith.constant 0 : i32
      %dma_start3A_36 = arith.constant 0 : i32
      %dma_start3A_37 = tpu.memref_slice %arg2[%dma_start3A, %dma_start3A_36] : memref<10000x16xf32, #tpu.memory_space<hbm>> -> memref<10000x16xf32, #tpu.memory_space<hbm>>
      tpu.enqueue_indirect_dma source(%dma_start3A_37 : memref<10000x16xf32, #tpu.memory_space<hbm>>) target(%arg9 : memref<128x16xf32, #tpu.memory_space<vmem>>) offsets(%arg7 : memref<128xi32, #tpu.memory_space<vmem>>) semaphore(%arg12 : memref<!tpu.dma_semaphore, #tpu.memory_space<semaphore_mem>>)
      %dma_wait3A = arith.constant 0 : i32
      %dma_wait3A_38 = arith.constant 0 : i32
      %dma_wait3A_39 = tpu.memref_slice %arg2[%dma_wait3A, %dma_wait3A_38] : memref<10000x16xf32, #tpu.memory_space<hbm>> -> memref<10000x16xf32, #tpu.memory_space<hbm>>
      tpu.wait_indirect_dma semaphore(%arg12 : memref<!tpu.dma_semaphore, #tpu.memory_space<semaphore_mem>>) src(%dma_wait3A_39 : memref<10000x16xf32, #tpu.memory_space<hbm>>) dst(%arg9 : memref<128x16xf32, #tpu.memory_space<vmem>>)
      %scan3A_40 = arith.constant 0 : i32
      %scan3A_41 = arith.constant 0 : i32
      %scan3A_42 = arith.constant 8 : i32
      %scan3A_43 = arith.addi %scan3A_41, %scan3A_42 : i32
      %scan3A_44 = arith.constant 1 : i32
      scf.for %scan3A_46 = %scan3A_41 to %scan3A_43 step %scan3A_44  : i32 {
        %mul3A_47 = arith.constant 16 : i32
        %mul3A_48 = arith.muli %scan3A_46, %mul3A_47 : i32
        %multiple_of3A_49 = tpu.assume_multiple %mul3A_48, 16 : i32
        %get3A = arith.index_cast %multiple_of3A_49 : i32 to index
        %get3A_50 = tpu.vector_load %arg8[%get3A] {strides = array<i32>} : memref<128xf32, #tpu.memory_space<vmem>>, vector<16xf32>,
        %get3A_51 = vector.shape_cast %get3A_50 : vector<16xf32> to vector<16xf32>
        %add3A_52 = arith.constant 0 : i32
        %add3A_53 = arith.addi %multiple_of3A_49, %add3A_52 : i32
        %get3A_54 = arith.index_cast %add3A_53 : i32 to index
        %get3A_55 = arith.constant 0 : index
        %get3A_56 = tpu.vector_load %arg9[%get3A_54, %get3A_55] {strides = array<i32>} : memref<128x16xf32, #tpu.memory_space<vmem>>, vector<1x16xf32>,
        %get3A_57 = vector.shape_cast %get3A_56 : vector<1x16xf32> to vector<16xf32>
        %slice3A = vector.extract_strided_slice %get3A_51 {offsets = [0], sizes = [1], strides = [1]} : vector<16xf32> to vector<1xf32>
        %squeeze3A = vector.extract %slice3A[0] : f32 from vector<1xf32>
        %mul3A_58 = vector.broadcast %squeeze3A : f32 to vector<16xf32>
        %mul3A_59 = arith.mulf %get3A_57, %mul3A_58 : vector<16xf32>
        %add3A_60 = arith.constant 0 : i32
        %add3A_61 = arith.addi %multiple_of3A_49, %add3A_60 : i32
        %swap3A = arith.index_cast %add3A_61 : i32 to index
        %swap3A_62 = arith.constant 0 : index
        %swap3A_63 = tpu.vector_load %arg9[%swap3A, %swap3A_62] {strides = array<i32>} : memref<128x16xf32, #tpu.memory_space<vmem>>, vector<1x16xf32>,
        %swap3A_64 = vector.shape_cast %swap3A_63 : vector<1x16xf32> to vector<16xf32>
        %swap3A_65 = vector.shape_cast %mul3A_59 : vector<16xf32> to vector<1x16xf32>
        tpu.vector_store %arg9[%swap3A, %swap3A_62], %swap3A_65 {strides = array<i32>} : memref<128x16xf32, #tpu.memory_space<vmem>>, vector<1x16xf32>,
        %add3A_66 = arith.constant 1 : i32
        %add3A_67 = arith.addi %multiple_of3A_49, %add3A_66 : i32
        %get3A_68 = arith.index_cast %add3A_67 : i32 to index
        %get3A_69 = arith.constant 0 : index
        %get3A_70 = tpu.vector_load %arg9[%get3A_68, %get3A_69] {strides = array<i32>} : memref<128x16xf32, #tpu.memory_space<vmem>>, vector<1x16xf32>,
        %get3A_71 = vector.shape_cast %get3A_70 : vector<1x16xf32> to vector<16xf32>
        %slice3A_72 = vector.extract_strided_slice %get3A_51 {offsets = [1], sizes = [1], strides = [1]} : vector<16xf32> to vector<1xf32>
        %squeeze3A_73 = vector.extract %slice3A_72[0] : f32 from vector<1xf32>
        %mul3A_74 = vector.broadcast %squeeze3A_73 : f32 to vector<16xf32>
        %mul3A_75 = arith.mulf %get3A_71, %mul3A_74 : vector<16xf32>
        %add3A_76 = arith.constant 1 : i32
        %add3A_77 = arith.addi %multiple_of3A_49, %add3A_76 : i32
        %swap3A_78 = arith.index_cast %add3A_77 : i32 to index
        %swap3A_79 = arith.constant 0 : index
        %swap3A_80 = tpu.vector_load %arg9[%swap3A_78, %swap3A_79] {strides = array<i32>} : memref<128x16xf32, #tpu.memory_space<vmem>>, vector<1x16xf32>,
        %swap3A_81 = vector.shape_cast %swap3A_80 : vector<1x16xf32> to vector<16xf32>
        %swap3A_82 = vector.shape_cast %mul3A_75 : vector<16xf32> to vector<1x16xf32>
        tpu.vector_store %arg9[%swap3A_78, %swap3A_79], %swap3A_82 {strides = array<i32>} : memref<128x16xf32, #tpu.memory_space<vmem>>, vector<1x16xf32>,
        %add3A_83 = arith.constant 2 : i32
        %add3A_84 = arith.addi %multiple_of3A_49, %add3A_83 : i32
        %get3A_85 = arith.index_cast %add3A_84 : i32 to index
        %get3A_86 = arith.constant 0 : index
        %get3A_87 = tpu.vector_load %arg9[%get3A_85, %get3A_86] {strides = array<i32>} : memref<128x16xf32, #tpu.memory_space<vmem>>, vector<1x16xf32>,
        %get3A_88 = vector.shape_cast %get3A_87 : vector<1x16xf32> to vector<16xf32>
        %slice3A_89 = vector.extract_strided_slice %get3A_51 {offsets = [2], sizes = [1], strides = [1]} : vector<16xf32> to vector<1xf32>
        %squeeze3A_90 = vector.extract %slice3A_89[0] : f32 from vector<1xf32>
        %mul3A_91 = vector.broadcast %squeeze3A_90 : f32 to vector<16xf32>
        %mul3A_92 = arith.mulf %get3A_88, %mul3A_91 : vector<16xf32>
        %add3A_93 = arith.constant 2 : i32
        %add3A_94 = arith.addi %multiple_of3A_49, %add3A_93 : i32
        %swap3A_95 = arith.index_cast %add3A_94 : i32 to index
        %swap3A_96 = arith.constant 0 : index
        %swap3A_97 = tpu.vector_load %arg9[%swap3A_95, %swap3A_96] {strides = array<i32>} : memref<128x16xf32, #tpu.memory_space<vmem>>, vector<1x16xf32>,
        %swap3A_98 = vector.shape_cast %swap3A_97 : vector<1x16xf32> to vector<16xf32>
        %swap3A_99 = vector.shape_cast %mul3A_92 : vector<16xf32> to vector<1x16xf32>
        tpu.vector_store %arg9[%swap3A_95, %swap3A_96], %swap3A_99 {strides = array<i32>} : memref<128x16xf32, #tpu.memory_space<vmem>>, vector<1x16xf32>,
        %add3A_100 = arith.constant 3 : i32
        %add3A_101 = arith.addi %multiple_of3A_49, %add3A_100 : i32
        %get3A_102 = arith.index_cast %add3A_101 : i32 to index
        %get3A_103 = arith.constant 0 : index
        %get3A_104 = tpu.vector_load %arg9[%get3A_102, %get3A_103] {strides = array<i32>} : memref<128x16xf32, #tpu.memory_space<vmem>>, vector<1x16xf32>,
        %get3A_105 = vector.shape_cast %get3A_104 : vector<1x16xf32> to vector<16xf32>
        %slice3A_106 = vector.extract_strided_slice %get3A_51 {offsets = [3], sizes = [1], strides = [1]} : vector<16xf32> to vector<1xf32>
        %squeeze3A_107 = vector.extract %slice3A_106[0] : f32 from vector<1xf32>
        %mul3A_108 = vector.broadcast %squeeze3A_107 : f32 to vector<16xf32>
        %mul3A_109 = arith.mulf %get3A_105, %mul3A_108 : vector<16xf32>
        %add3A_110 = arith.constant 3 : i32
        %add3A_111 = arith.addi %multiple_of3A_49, %add3A_110 : i32
        %swap3A_112 = arith.index_cast %add3A_111 : i32 to index
        %swap3A_113 = arith.constant 0 : index
        %swap3A_114 = tpu.vector_load %arg9[%swap3A_112, %swap3A_113] {strides = array<i32>} : memref<128x16xf32, #tpu.memory_space<vmem>>, vector<1x16xf32>,
        %swap3A_115 = vector.shape_cast %swap3A_114 : vector<1x16xf32> to vector<16xf32>
        %swap3A_116 = vector.shape_cast %mul3A_109 : vector<16xf32> to vector<1x16xf32>
        tpu.vector_store %arg9[%swap3A_112, %swap3A_113], %swap3A_116 {strides = array<i32>} : memref<128x16xf32, #tpu.memory_space<vmem>>, vector<1x16xf32>,
        %add3A_117 = arith.constant 4 : i32
        %add3A_118 = arith.addi %multiple_of3A_49, %add3A_117 : i32
        %get3A_119 = arith.index_cast %add3A_118 : i32 to index
        %get3A_120 = arith.constant 0 : index
        %get3A_121 = tpu.vector_load %arg9[%get3A_119, %get3A_120] {strides = array<i32>} : memref<128x16xf32, #tpu.memory_space<vmem>>, vector<1x16xf32>,
        %get3A_122 = vector.shape_cast %get3A_121 : vector<1x16xf32> to vector<16xf32>
        %slice3A_123 = vector.extract_strided_slice %get3A_51 {offsets = [4], sizes = [1], strides = [1]} : vector<16xf32> to vector<1xf32>
        %squeeze3A_124 = vector.extract %slice3A_123[0] : f32 from vector<1xf32>
        %mul3A_125 = vector.broadcast %squeeze3A_124 : f32 to vector<16xf32>
        %mul3A_126 = arith.mulf %get3A_122, %mul3A_125 : vector<16xf32>
        %add3A_127 = arith.constant 4 : i32
        %add3A_128 = arith.addi %multiple_of3A_49, %add3A_127 : i32
        %swap3A_129 = arith.index_cast %add3A_128 : i32 to index
        %swap3A_130 = arith.constant 0 : index
        %swap3A_131 = tpu.vector_load %arg9[%swap3A_129, %swap3A_130] {strides = array<i32>} : memref<128x16xf32, #tpu.memory_space<vmem>>, vector<1x16xf32>,
        %swap3A_132 = vector.shape_cast %swap3A_131 : vector<1x16xf32> to vector<16xf32>
        %swap3A_133 = vector.shape_cast %mul3A_126 : vector<16xf32> to vector<1x16xf32>
        tpu.vector_store %arg9[%swap3A_129, %swap3A_130], %swap3A_133 {strides = array<i32>} : memref<128x16xf32, #tpu.memory_space<vmem>>, vector<1x16xf32>,
        %add3A_134 = arith.constant 5 : i32
        %add3A_135 = arith.addi %multiple_of3A_49, %add3A_134 : i32
        %get3A_136 = arith.index_cast %add3A_135 : i32 to index
        %get3A_137 = arith.constant 0 : index
        %get3A_138 = tpu.vector_load %arg9[%get3A_136, %get3A_137] {strides = array<i32>} : memref<128x16xf32, #tpu.memory_space<vmem>>, vector<1x16xf32>,
        %get3A_139 = vector.shape_cast %get3A_138 : vector<1x16xf32> to vector<16xf32>
        %slice3A_140 = vector.extract_strided_slice %get3A_51 {offsets = [5], sizes = [1], strides = [1]} : vector<16xf32> to vector<1xf32>
        %squeeze3A_141 = vector.extract %slice3A_140[0] : f32 from vector<1xf32>
        %mul3A_142 = vector.broadcast %squeeze3A_141 : f32 to vector<16xf32>
        %mul3A_143 = arith.mulf %get3A_139, %mul3A_142 : vector<16xf32>
        %add3A_144 = arith.constant 5 : i32
        %add3A_145 = arith.addi %multiple_of3A_49, %add3A_144 : i32
        %swap3A_146 = arith.index_cast %add3A_145 : i32 to index
        %swap3A_147 = arith.constant 0 : index
        %swap3A_148 = tpu.vector_load %arg9[%swap3A_146, %swap3A_147] {strides = array<i32>} : memref<128x16xf32, #tpu.memory_space<vmem>>, vector<1x16xf32>,
        %swap3A_149 = vector.shape_cast %swap3A_148 : vector<1x16xf32> to vector<16xf32>
        %swap3A_150 = vector.shape_cast %mul3A_143 : vector<16xf32> to vector<1x16xf32>
        tpu.vector_store %arg9[%swap3A_146, %swap3A_147], %swap3A_150 {strides = array<i32>} : memref<128x16xf32, #tpu.memory_space<vmem>>, vector<1x16xf32>,
        %add3A_151 = arith.constant 6 : i32
        %add3A_152 = arith.addi %multiple_of3A_49, %add3A_151 : i32
        %get3A_153 = arith.index_cast %add3A_152 : i32 to index
        %get3A_154 = arith.constant 0 : index
        %get3A_155 = tpu.vector_load %arg9[%get3A_153, %get3A_154] {strides = array<i32>} : memref<128x16xf32, #tpu.memory_space<vmem>>, vector<1x16xf32>,
        %get3A_156 = vector.shape_cast %get3A_155 : vector<1x16xf32> to vector<16xf32>
        %slice3A_157 = vector.extract_strided_slice %get3A_51 {offsets = [6], sizes = [1], strides = [1]} : vector<16xf32> to vector<1xf32>
        %squeeze3A_158 = vector.extract %slice3A_157[0] : f32 from vector<1xf32>
        %mul3A_159 = vector.broadcast %squeeze3A_158 : f32 to vector<16xf32>
        %mul3A_160 = arith.mulf %get3A_156, %mul3A_159 : vector<16xf32>
        %add3A_161 = arith.constant 6 : i32
        %add3A_162 = arith.addi %multiple_of3A_49, %add3A_161 : i32
        %swap3A_163 = arith.index_cast %add3A_162 : i32 to index
        %swap3A_164 = arith.constant 0 : index
        %swap3A_165 = tpu.vector_load %arg9[%swap3A_163, %swap3A_164] {strides = array<i32>} : memref<128x16xf32, #tpu.memory_space<vmem>>, vector<1x16xf32>,
        %swap3A_166 = vector.shape_cast %swap3A_165 : vector<1x16xf32> to vector<16xf32>
        %swap3A_167 = vector.shape_cast %mul3A_160 : vector<16xf32> to vector<1x16xf32>
        tpu.vector_store %arg9[%swap3A_163, %swap3A_164], %swap3A_167 {strides = array<i32>} : memref<128x16xf32, #tpu.memory_space<vmem>>, vector<1x16xf32>,
        %add3A_168 = arith.constant 7 : i32
        %add3A_169 = arith.addi %multiple_of3A_49, %add3A_168 : i32
        %get3A_170 = arith.index_cast %add3A_169 : i32 to index
        %get3A_171 = arith.constant 0 : index
        %get3A_172 = tpu.vector_load %arg9[%get3A_170, %get3A_171] {strides = array<i32>} : memref<128x16xf32, #tpu.memory_space<vmem>>, vector<1x16xf32>,
        %get3A_173 = vector.shape_cast %get3A_172 : vector<1x16xf32> to vector<16xf32>
        %slice3A_174 = vector.extract_strided_slice %get3A_51 {offsets = [7], sizes = [1], strides = [1]} : vector<16xf32> to vector<1xf32>
        %squeeze3A_175 = vector.extract %slice3A_174[0] : f32 from vector<1xf32>
        %mul3A_176 = vector.broadcast %squeeze3A_175 : f32 to vector<16xf32>
        %mul3A_177 = arith.mulf %get3A_173, %mul3A_176 : vector<16xf32>
        %add3A_178 = arith.constant 7 : i32
        %add3A_179 = arith.addi %multiple_of3A_49, %add3A_178 : i32
        %swap3A_180 = arith.index_cast %add3A_179 : i32 to index
        %swap3A_181 = arith.constant 0 : index
        %swap3A_182 = tpu.vector_load %arg9[%swap3A_180, %swap3A_181] {strides = array<i32>} : memref<128x16xf32, #tpu.memory_space<vmem>>, vector<1x16xf32>,
        %swap3A_183 = vector.shape_cast %swap3A_182 : vector<1x16xf32> to vector<16xf32>
        %swap3A_184 = vector.shape_cast %mul3A_177 : vector<16xf32> to vector<1x16xf32>
        tpu.vector_store %arg9[%swap3A_180, %swap3A_181], %swap3A_184 {strides = array<i32>} : memref<128x16xf32, #tpu.memory_space<vmem>>, vector<1x16xf32>,
        %add3A_185 = arith.constant 8 : i32
        %add3A_186 = arith.addi %multiple_of3A_49, %add3A_185 : i32
        %get3A_187 = arith.index_cast %add3A_186 : i32 to index
        %get3A_188 = arith.constant 0 : index
        %get3A_189 = tpu.vector_load %arg9[%get3A_187, %get3A_188] {strides = array<i32>} : memref<128x16xf32, #tpu.memory_space<vmem>>, vector<1x16xf32>,
        %get3A_190 = vector.shape_cast %get3A_189 : vector<1x16xf32> to vector<16xf32>
        %slice3A_191 = vector.extract_strided_slice %get3A_51 {offsets = [8], sizes = [1], strides = [1]} : vector<16xf32> to vector<1xf32>
        %squeeze3A_192 = vector.extract %slice3A_191[0] : f32 from vector<1xf32>
        %mul3A_193 = vector.broadcast %squeeze3A_192 : f32 to vector<16xf32>
        %mul3A_194 = arith.mulf %get3A_190, %mul3A_193 : vector<16xf32>
        %add3A_195 = arith.constant 8 : i32
        %add3A_196 = arith.addi %multiple_of3A_49, %add3A_195 : i32
        %swap3A_197 = arith.index_cast %add3A_196 : i32 to index
        %swap3A_198 = arith.constant 0 : index
        %swap3A_199 = tpu.vector_load %arg9[%swap3A_197, %swap3A_198] {strides = array<i32>} : memref<128x16xf32, #tpu.memory_space<vmem>>, vector<1x16xf32>,
        %swap3A_200 = vector.shape_cast %swap3A_199 : vector<1x16xf32> to vector<16xf32>
        %swap3A_201 = vector.shape_cast %mul3A_194 : vector<16xf32> to vector<1x16xf32>
        tpu.vector_store %arg9[%swap3A_197, %swap3A_198], %swap3A_201 {strides = array<i32>} : memref<128x16xf32, #tpu.memory_space<vmem>>, vector<1x16xf32>,
        %add3A_202 = arith.constant 9 : i32
        %add3A_203 = arith.addi %multiple_of3A_49, %add3A_202 : i32
        %get3A_204 = arith.index_cast %add3A_203 : i32 to index
        %get3A_205 = arith.constant 0 : index
        %get3A_206 = tpu.vector_load %arg9[%get3A_204, %get3A_205] {strides = array<i32>} : memref<128x16xf32, #tpu.memory_space<vmem>>, vector<1x16xf32>,
        %get3A_207 = vector.shape_cast %get3A_206 : vector<1x16xf32> to vector<16xf32>
        %slice3A_208 = vector.extract_strided_slice %get3A_51 {offsets = [9], sizes = [1], strides = [1]} : vector<16xf32> to vector<1xf32>
        %squeeze3A_209 = vector.extract %slice3A_208[0] : f32 from vector<1xf32>
        %mul3A_210 = vector.broadcast %squeeze3A_209 : f32 to vector<16xf32>
        %mul3A_211 = arith.mulf %get3A_207, %mul3A_210 : vector<16xf32>
        %add3A_212 = arith.constant 9 : i32
        %add3A_213 = arith.addi %multiple_of3A_49, %add3A_212 : i32
        %swap3A_214 = arith.index_cast %add3A_213 : i32 to index
        %swap3A_215 = arith.constant 0 : index
        %swap3A_216 = tpu.vector_load %arg9[%swap3A_214, %swap3A_215] {strides = array<i32>} : memref<128x16xf32, #tpu.memory_space<vmem>>, vector<1x16xf32>,
        %swap3A_217 = vector.shape_cast %swap3A_216 : vector<1x16xf32> to vector<16xf32>
        %swap3A_218 = vector.shape_cast %mul3A_211 : vector<16xf32> to vector<1x16xf32>
        tpu.vector_store %arg9[%swap3A_214, %swap3A_215], %swap3A_218 {strides = array<i32>} : memref<128x16xf32, #tpu.memory_space<vmem>>, vector<1x16xf32>,
        %add3A_219 = arith.constant 10 : i32
        %add3A_220 = arith.addi %multiple_of3A_49, %add3A_219 : i32
        %get3A_221 = arith.index_cast %add3A_220 : i32 to index
        %get3A_222 = arith.constant 0 : index
        %get3A_223 = tpu.vector_load %arg9[%get3A_221, %get3A_222] {strides = array<i32>} : memref<128x16xf32, #tpu.memory_space<vmem>>, vector<1x16xf32>,
        %get3A_224 = vector.shape_cast %get3A_223 : vector<1x16xf32> to vector<16xf32>
        %slice3A_225 = vector.extract_strided_slice %get3A_51 {offsets = [10], sizes = [1], strides = [1]} : vector<16xf32> to vector<1xf32>
        %squeeze3A_226 = vector.extract %slice3A_225[0] : f32 from vector<1xf32>
        %mul3A_227 = vector.broadcast %squeeze3A_226 : f32 to vector<16xf32>
        %mul3A_228 = arith.mulf %get3A_224, %mul3A_227 : vector<16xf32>
        %add3A_229 = arith.constant 10 : i32
        %add3A_230 = arith.addi %multiple_of3A_49, %add3A_229 : i32
        %swap3A_231 = arith.index_cast %add3A_230 : i32 to index
        %swap3A_232 = arith.constant 0 : index
        %swap3A_233 = tpu.vector_load %arg9[%swap3A_231, %swap3A_232] {strides = array<i32>} : memref<128x16xf32, #tpu.memory_space<vmem>>, vector<1x16xf32>,
        %swap3A_234 = vector.shape_cast %swap3A_233 : vector<1x16xf32> to vector<16xf32>
        %swap3A_235 = vector.shape_cast %mul3A_228 : vector<16xf32> to vector<1x16xf32>
        tpu.vector_store %arg9[%swap3A_231, %swap3A_232], %swap3A_235 {strides = array<i32>} : memref<128x16xf32, #tpu.memory_space<vmem>>, vector<1x16xf32>,
        %add3A_236 = arith.constant 11 : i32
        %add3A_237 = arith.addi %multiple_of3A_49, %add3A_236 : i32
        %get3A_238 = arith.index_cast %add3A_237 : i32 to index
        %get3A_239 = arith.constant 0 : index
        %get3A_240 = tpu.vector_load %arg9[%get3A_238, %get3A_239] {strides = array<i32>} : memref<128x16xf32, #tpu.memory_space<vmem>>, vector<1x16xf32>,
        %get3A_241 = vector.shape_cast %get3A_240 : vector<1x16xf32> to vector<16xf32>
        %slice3A_242 = vector.extract_strided_slice %get3A_51 {offsets = [11], sizes = [1], strides = [1]} : vector<16xf32> to vector<1xf32>
        %squeeze3A_243 = vector.extract %slice3A_242[0] : f32 from vector<1xf32>
        %mul3A_244 = vector.broadcast %squeeze3A_243 : f32 to vector<16xf32>
        %mul3A_245 = arith.mulf %get3A_241, %mul3A_244 : vector<16xf32>
        %add3A_246 = arith.constant 11 : i32
        %add3A_247 = arith.addi %multiple_of3A_49, %add3A_246 : i32
        %swap3A_248 = arith.index_cast %add3A_247 : i32 to index
        %swap3A_249 = arith.constant 0 : index
        %swap3A_250 = tpu.vector_load %arg9[%swap3A_248, %swap3A_249] {strides = array<i32>} : memref<128x16xf32, #tpu.memory_space<vmem>>, vector<1x16xf32>,
        %swap3A_251 = vector.shape_cast %swap3A_250 : vector<1x16xf32> to vector<16xf32>
        %swap3A_252 = vector.shape_cast %mul3A_245 : vector<16xf32> to vector<1x16xf32>
        tpu.vector_store %arg9[%swap3A_248, %swap3A_249], %swap3A_252 {strides = array<i32>} : memref<128x16xf32, #tpu.memory_space<vmem>>, vector<1x16xf32>,
        %add3A_253 = arith.constant 12 : i32
        %add3A_254 = arith.addi %multiple_of3A_49, %add3A_253 : i32
        %get3A_255 = arith.index_cast %add3A_254 : i32 to index
        %get3A_256 = arith.constant 0 : index
        %get3A_257 = tpu.vector_load %arg9[%get3A_255, %get3A_256] {strides = array<i32>} : memref<128x16xf32, #tpu.memory_space<vmem>>, vector<1x16xf32>,
        %get3A_258 = vector.shape_cast %get3A_257 : vector<1x16xf32> to vector<16xf32>
        %slice3A_259 = vector.extract_strided_slice %get3A_51 {offsets = [12], sizes = [1], strides = [1]} : vector<16xf32> to vector<1xf32>
        %squeeze3A_260 = vector.extract %slice3A_259[0] : f32 from vector<1xf32>
        %mul3A_261 = vector.broadcast %squeeze3A_260 : f32 to vector<16xf32>
        %mul3A_262 = arith.mulf %get3A_258, %mul3A_261 : vector<16xf32>
        %add3A_263 = arith.constant 12 : i32
        %add3A_264 = arith.addi %multiple_of3A_49, %add3A_263 : i32
        %swap3A_265 = arith.index_cast %add3A_264 : i32 to index
        %swap3A_266 = arith.constant 0 : index
        %swap3A_267 = tpu.vector_load %arg9[%swap3A_265, %swap3A_266] {strides = array<i32>} : memref<128x16xf32, #tpu.memory_space<vmem>>, vector<1x16xf32>,
        %swap3A_268 = vector.shape_cast %swap3A_267 : vector<1x16xf32> to vector<16xf32>
        %swap3A_269 = vector.shape_cast %mul3A_262 : vector<16xf32> to vector<1x16xf32>
        tpu.vector_store %arg9[%swap3A_265, %swap3A_266], %swap3A_269 {strides = array<i32>} : memref<128x16xf32, #tpu.memory_space<vmem>>, vector<1x16xf32>,
        %add3A_270 = arith.constant 13 : i32
        %add3A_271 = arith.addi %multiple_of3A_49, %add3A_270 : i32
        %get3A_272 = arith.index_cast %add3A_271 : i32 to index
        %get3A_273 = arith.constant 0 : index
        %get3A_274 = tpu.vector_load %arg9[%get3A_272, %get3A_273] {strides = array<i32>} : memref<128x16xf32, #tpu.memory_space<vmem>>, vector<1x16xf32>,
        %get3A_275 = vector.shape_cast %get3A_274 : vector<1x16xf32> to vector<16xf32>
        %slice3A_276 = vector.extract_strided_slice %get3A_51 {offsets = [13], sizes = [1], strides = [1]} : vector<16xf32> to vector<1xf32>
        %squeeze3A_277 = vector.extract %slice3A_276[0] : f32 from vector<1xf32>
        %mul3A_278 = vector.broadcast %squeeze3A_277 : f32 to vector<16xf32>
        %mul3A_279 = arith.mulf %get3A_275, %mul3A_278 : vector<16xf32>
        %add3A_280 = arith.constant 13 : i32
        %add3A_281 = arith.addi %multiple_of3A_49, %add3A_280 : i32
        %swap3A_282 = arith.index_cast %add3A_281 : i32 to index
        %swap3A_283 = arith.constant 0 : index
        %swap3A_284 = tpu.vector_load %arg9[%swap3A_282, %swap3A_283] {strides = array<i32>} : memref<128x16xf32, #tpu.memory_space<vmem>>, vector<1x16xf32>,
        %swap3A_285 = vector.shape_cast %swap3A_284 : vector<1x16xf32> to vector<16xf32>
        %swap3A_286 = vector.shape_cast %mul3A_279 : vector<16xf32> to vector<1x16xf32>
        tpu.vector_store %arg9[%swap3A_282, %swap3A_283], %swap3A_286 {strides = array<i32>} : memref<128x16xf32, #tpu.memory_space<vmem>>, vector<1x16xf32>,
        %add3A_287 = arith.constant 14 : i32
        %add3A_288 = arith.addi %multiple_of3A_49, %add3A_287 : i32
        %get3A_289 = arith.index_cast %add3A_288 : i32 to index
        %get3A_290 = arith.constant 0 : index
        %get3A_291 = tpu.vector_load %arg9[%get3A_289, %get3A_290] {strides = array<i32>} : memref<128x16xf32, #tpu.memory_space<vmem>>, vector<1x16xf32>,
        %get3A_292 = vector.shape_cast %get3A_291 : vector<1x16xf32> to vector<16xf32>
        %slice3A_293 = vector.extract_strided_slice %get3A_51 {offsets = [14], sizes = [1], strides = [1]} : vector<16xf32> to vector<1xf32>
        %squeeze3A_294 = vector.extract %slice3A_293[0] : f32 from vector<1xf32>
        %mul3A_295 = vector.broadcast %squeeze3A_294 : f32 to vector<16xf32>
        %mul3A_296 = arith.mulf %get3A_292, %mul3A_295 : vector<16xf32>
        %add3A_297 = arith.constant 14 : i32
        %add3A_298 = arith.addi %multiple_of3A_49, %add3A_297 : i32
        %swap3A_299 = arith.index_cast %add3A_298 : i32 to index
        %swap3A_300 = arith.constant 0 : index
        %swap3A_301 = tpu.vector_load %arg9[%swap3A_299, %swap3A_300] {strides = array<i32>} : memref<128x16xf32, #tpu.memory_space<vmem>>, vector<1x16xf32>,
        %swap3A_302 = vector.shape_cast %swap3A_301 : vector<1x16xf32> to vector<16xf32>
        %swap3A_303 = vector.shape_cast %mul3A_296 : vector<16xf32> to vector<1x16xf32>
        tpu.vector_store %arg9[%swap3A_299, %swap3A_300], %swap3A_303 {strides = array<i32>} : memref<128x16xf32, #tpu.memory_space<vmem>>, vector<1x16xf32>,
        %add3A_304 = arith.constant 15 : i32
        %add3A_305 = arith.addi %multiple_of3A_49, %add3A_304 : i32
        %get3A_306 = arith.index_cast %add3A_305 : i32 to index
        %get3A_307 = arith.constant 0 : index
        %get3A_308 = tpu.vector_load %arg9[%get3A_306, %get3A_307] {strides = array<i32>} : memref<128x16xf32, #tpu.memory_space<vmem>>, vector<1x16xf32>,
        %get3A_309 = vector.shape_cast %get3A_308 : vector<1x16xf32> to vector<16xf32>
        %slice3A_310 = vector.extract_strided_slice %get3A_51 {offsets = [15], sizes = [1], strides = [1]} : vector<16xf32> to vector<1xf32>
        %squeeze3A_311 = vector.extract %slice3A_310[0] : f32 from vector<1xf32>
        %mul3A_312 = vector.broadcast %squeeze3A_311 : f32 to vector<16xf32>
        %mul3A_313 = arith.mulf %get3A_309, %mul3A_312 : vector<16xf32>
        %add3A_314 = arith.constant 15 : i32
        %add3A_315 = arith.addi %multiple_of3A_49, %add3A_314 : i32
        %swap3A_316 = arith.index_cast %add3A_315 : i32 to index
        %swap3A_317 = arith.constant 0 : index
        %swap3A_318 = tpu.vector_load %arg9[%swap3A_316, %swap3A_317] {strides = array<i32>} : memref<128x16xf32, #tpu.memory_space<vmem>>, vector<1x16xf32>,
        %swap3A_319 = vector.shape_cast %swap3A_318 : vector<1x16xf32> to vector<16xf32>
        %swap3A_320 = vector.shape_cast %mul3A_313 : vector<16xf32> to vector<1x16xf32>
        tpu.vector_store %arg9[%swap3A_316, %swap3A_317], %swap3A_320 {strides = array<i32>} : memref<128x16xf32, #tpu.memory_space<vmem>>, vector<1x16xf32>,
      }
      %scan3A_45 = arith.constant 8 : i32
      "tpu.region"() ({
        %run_scoped3A_46 = tpu.sem_alloc : memref<!tpu.dma_semaphore, #tpu.memory_space<semaphore_mem>>
        %dma_start3A_47 = arith.constant 0 : i32
        %dma_start3A_48 = arith.constant 0 : i32
        %dma_start3A_49 = tpu.memref_slice %arg11[%dma_start3A_47, %dma_start3A_48] : memref<10112x16xf32, #tpu.memory_space<vmem_shared>> -> memref<10112x16xf32, #tpu.memory_space<vmem_shared>>
        tpu.enqueue_indirect_dma source(%arg9 : memref<128x16xf32, #tpu.memory_space<vmem>>) target(%dma_start3A_49 : memref<10112x16xf32, #tpu.memory_space<vmem_shared>>) offsets(%arg6 : memref<128xi32, #tpu.memory_space<vmem>>) semaphore(%run_scoped3A_46 : memref<!tpu.dma_semaphore, #tpu.memory_space<semaphore_mem>>) {add = true}
        %dma_wait3A_50 = arith.constant 0 : i32
        %dma_wait3A_51 = arith.constant 0 : i32
        %dma_wait3A_52 = tpu.memref_slice %arg11[%dma_wait3A_50, %dma_wait3A_51] : memref<10112x16xf32, #tpu.memory_space<vmem_shared>> -> memref<10112x16xf32, #tpu.memory_space<vmem_shared>>
        tpu.wait_indirect_dma semaphore(%run_scoped3A_46 : memref<!tpu.dma_semaphore, #tpu.memory_space<semaphore_mem>>) src(%arg9 : memref<128x16xf32, #tpu.memory_space<vmem>>) dst(%dma_wait3A_52 : memref<10112x16xf32, #tpu.memory_space<vmem_shared>>)
        tpu.yield
      }) : () -> ()
    }
    %barrier3A_26 = arith.constant 0 : index
    tpu.barrier barrier_id(%barrier3A_26)
    %mul3A_27 = arith.constant 632 : i32
    %mul3A_28 = arith.muli %arg1, %mul3A_27 : i32
    %mul3A_29 = arith.constant 632 : i32
    %mul3A_30 = arith.muli %arg1, %mul3A_29 : i32
    "tpu.region"() ({
      %run_scoped3A = tpu.sem_alloc : memref<!tpu.dma_semaphore, #tpu.memory_space<semaphore_mem>>
      %dma_start3A = arith.constant 0 : i32
      %dma_start3A_31 = tpu.memref_slice %arg5[%arg0, %mul3A_30, %dma_start3A] : memref<2x10112x16xf32, #tpu.memory_space<hbm>> -> memref<1x632x16xf32, #tpu.memory_space<hbm>>
      %dma_start3A_32 = tpu.memref_squeeze %dma_start3A_31 : memref<1x632x16xf32, #tpu.memory_space<hbm>> -> memref<632x16xf32, #tpu.memory_space<hbm>>
      %dma_start3A_33 = arith.constant 0 : i32
      %dma_start3A_34 = tpu.memref_slice %arg11[%mul3A_28, %dma_start3A_33] : memref<10112x16xf32, #tpu.memory_space<vmem_shared>> -> memref<632x16xf32, #tpu.memory_space<vmem_shared>>
      tpu.enqueue_dma source(%dma_start3A_34 : memref<632x16xf32, #tpu.memory_space<vmem_shared>>) target(%dma_start3A_32 : memref<632x16xf32, #tpu.memory_space<hbm>>) target_semaphore(%run_scoped3A : memref<!tpu.dma_semaphore, #tpu.memory_space<semaphore_mem>>)
      %dma_wait3A = arith.constant 0 : i32
      %dma_wait3A_35 = tpu.memref_slice %arg5[%arg0, %mul3A_30, %dma_wait3A] : memref<2x10112x16xf32, #tpu.memory_space<hbm>> -> memref<1x632x16xf32, #tpu.memory_space<hbm>>
      %dma_wait3A_36 = tpu.memref_squeeze %dma_wait3A_35 : memref<1x632x16xf32, #tpu.memory_space<hbm>> -> memref<632x16xf32, #tpu.memory_space<hbm>>
      %dma_wait3A_37 = arith.constant 0 : i32
      %dma_wait3A_38 = tpu.memref_slice %arg11[%mul3A_28, %dma_wait3A_37] : memref<10112x16xf32, #tpu.memory_space<vmem_shared>> -> memref<632x16xf32, #tpu.memory_space<vmem_shared>>
      tpu.wait_dma2 semaphore(%run_scoped3A : memref<!tpu.dma_semaphore, #tpu.memory_space<semaphore_mem>>) src(%dma_wait3A_38 : memref<632x16xf32, #tpu.memory_space<vmem_shared>>) dst(%dma_wait3A_36 : memref<632x16xf32, #tpu.memory_space<hbm>>)
      tpu.yield
    }) : () -> ()
    return
  }
}

#map = affine_map<(d0, d1) -> (0, 0)>
#map1 = affine_map<(d0, d1) -> (0)>
#map2 = affine_map<(d0, d1) -> (0, 0, 0)>
module attributes {stable_mosaic.version = 14 : i64} {
  func.func @_spmm_sc(%arg0: i32, %arg1: i32, %arg2: memref<10000x16xf32, #tpu.memory_space<hbm>>, %arg3: memref<2x320000xi32, #tpu.memory_space<hbm>>, %arg4: memref<320000xf32, #tpu.memory_space<hbm>>, %arg5: memref<2x10112x16xf32, #tpu.memory_space<hbm>>, %arg6: memref<128xi32, #tpu.memory_space<vmem>>, %arg7: memref<128xi32, #tpu.memory_space<vmem>>, %arg8: memref<128xf32, #tpu.memory_space<vmem>>, %arg9: memref<128x16xf32, #tpu.memory_space<vmem>>, %arg10: memref<632x16xf32, #tpu.memory_space<vmem>>, %arg11: memref<10112x16xf32, #tpu.memory_space<vmem_shared>>, %arg12: memref<!tpu.dma_semaphore, #tpu.memory_space<semaphore_mem>>) attributes {dimension_semantics = [#tpu.dimension_semantics<core_parallel>, #tpu.dimension_semantics<subcore_parallel>], iteration_bounds = array<i64: 2, 16>, scalar_prefetch = 0 : i64, scratch_operands = 7 : i64, tpu.core_type = #tpu.core_type<sc_vector_subcore>, window_params = [{transform_indices = #map}, {transform_indices = #map}, {transform_indices = #map1}, {transform_indices = #map2}]} {
    %mul3A = arith.constant 16 : i32
    %mul3A_0 = arith.muli %arg0, %mul3A : i32
    %add3A = arith.addi %mul3A_0, %arg1 : i32
    %broadcast_in_dim3A = arith.constant 0.000000e+00 : f32
    %broadcast_in_dim3A_1 = vector.broadcast %broadcast_in_dim3A : f32 to vector<16xf32>
    %scan3A = arith.constant 0 : i32
    %scan3A_2 = arith.constant 0 : i32
    %scan3A_3 = arith.constant 632 : i32
    %scan3A_4 = arith.addi %scan3A_2, %scan3A_3 : i32
    %scan3A_5 = arith.constant 1 : i32
    scf.for %scan3A_31 = %scan3A_2 to %scan3A_4 step %scan3A_5  : i32 {
      %swap3A = arith.index_cast %scan3A_31 : i32 to index
      %swap3A_32 = arith.constant 0 : index
      %swap3A_33 = tpu.vector_load %arg10[%swap3A, %swap3A_32] {strides = array<i32>} : memref<632x16xf32, #tpu.memory_space<vmem>>, vector<1x16xf32>,
      %swap3A_34 = vector.shape_cast %swap3A_33 : vector<1x16xf32> to vector<16xf32>
      %swap3A_35 = vector.shape_cast %broadcast_in_dim3A_1 : vector<16xf32> to vector<1x16xf32>
      tpu.vector_store %arg10[%swap3A, %swap3A_32], %swap3A_35 {strides = array<i32>} : memref<632x16xf32, #tpu.memory_space<vmem>>, vector<1x16xf32>,
    }
    %scan3A_6 = arith.constant 632 : i32
    %mul3A_7 = arith.constant 632 : i32
    %mul3A_8 = arith.muli %arg1, %mul3A_7 : i32
    "tpu.region"() ({
      %run_scoped3A = tpu.sem_alloc : memref<!tpu.dma_semaphore, #tpu.memory_space<semaphore_mem>>
      %dma_start3A = arith.constant 0 : i32
      %dma_start3A_31 = tpu.memref_slice %arg11[%mul3A_8, %dma_start3A] : memref<10112x16xf32, #tpu.memory_space<vmem_shared>> -> memref<632x16xf32, #tpu.memory_space<vmem_shared>>
      %dma_start3A_32 = arith.constant 0 : i32
      %dma_start3A_33 = tpu.memref_slice %arg11[%mul3A_8, %dma_start3A_32] : memref<10112x16xf32, #tpu.memory_space<vmem_shared>> -> memref<632x16xf32, #tpu.memory_space<vmem_shared>>
      tpu.enqueue_dma source(%arg10 : memref<632x16xf32, #tpu.memory_space<vmem>>) target(%dma_start3A_33 : memref<632x16xf32, #tpu.memory_space<vmem_shared>>) target_semaphore(%run_scoped3A : memref<!tpu.dma_semaphore, #tpu.memory_space<semaphore_mem>>)
      %dma_wait3A = arith.constant 0 : i32
      %dma_wait3A_34 = tpu.memref_slice %arg11[%mul3A_8, %dma_wait3A] : memref<10112x16xf32, #tpu.memory_space<vmem_shared>> -> memref<632x16xf32, #tpu.memory_space<vmem_shared>>
      %dma_wait3A_35 = arith.constant 0 : i32
      %dma_wait3A_36 = tpu.memref_slice %arg11[%mul3A_8, %dma_wait3A_35] : memref<10112x16xf32, #tpu.memory_space<vmem_shared>> -> memref<632x16xf32, #tpu.memory_space<vmem_shared>>
      tpu.wait_dma2 semaphore(%run_scoped3A : memref<!tpu.dma_semaphore, #tpu.memory_space<semaphore_mem>>) src(%arg10 : memref<632x16xf32, #tpu.memory_space<vmem>>) dst(%dma_wait3A_36 : memref<632x16xf32, #tpu.memory_space<vmem_shared>>)
      tpu.yield
    }) : () -> ()
    %barrier3A = arith.constant 0 : index
    tpu.barrier barrier_id(%barrier3A)
    %mul3A_9 = arith.constant 78 : i32
    %mul3A_10 = arith.muli %add3A, %mul3A_9 : i32
    %min3A = arith.constant 4 : i32
    %min3A_11 = arith.minsi %add3A, %min3A : i32
    %add3A_12 = arith.addi %mul3A_10, %min3A_11 : i32
    %lt3A = arith.constant 4 : i32
    %lt3A_13 = arith.cmpi slt, %add3A, %lt3A : i32
    %jit3A = arith.constant 1 : i32
    %jit3A_14 = arith.constant 0 : i32
    %select_n3A = arith.select %lt3A_13, %jit3A, %jit3A_14 : i32
    %add3A_15 = arith.constant 78 : i32
    %add3A_16 = arith.addi %add3A_15, %select_n3A : i32
    %while3A = arith.constant 0 : i32
    %while3A_17 = arith.constant 0 : i32
    %while3A_18 = arith.subi %add3A_16, %while3A_17 : i32
    %while3A_19 = arith.addi %while3A_17, %while3A_18 : i32
    %while3A_20 = arith.constant 1 : i32
    %while3A_21 = arith.divsi %while3A_18, %while3A_20 : i32
    %while3A_22 = arith.muli %while3A_21, %while3A_20 : i32
    %while3A_23 = arith.addi %while3A_17, %while3A_22 : i32
    %while3A_24 = arith.constant 1 : i32
    scf.for %while3A_31 = %while3A_17 to %while3A_23 step %while3A_24  : i32 {
      %add3A_32 = arith.addi %add3A_12, %while3A_31 : i32
      %mul3A_33 = arith.constant 128 : i32
      %mul3A_34 = arith.muli %add3A_32, %mul3A_33 : i32
      %multiple_of3A = tpu.assume_multiple %mul3A_34, 128 : i32
      %run_scoped3A = arith.constant 0 : i32
      "tpu.region"() ({
        %run_scoped3A_46 = tpu.sem_alloc : memref<!tpu.dma_semaphore, #tpu.memory_space<semaphore_mem>>
        %dma_start3A_47 = tpu.memref_slice %arg3[%run_scoped3A, %multiple_of3A] : memref<2x320000xi32, #tpu.memory_space<hbm>> -> memref<1x128xi32, #tpu.memory_space<hbm>>
        %dma_start3A_48 = tpu.memref_squeeze %dma_start3A_47 : memref<1x128xi32, #tpu.memory_space<hbm>> -> memref<128xi32, #tpu.memory_space<hbm>>
        %dma_start3A_49 = tpu.memref_slice %arg3[%run_scoped3A, %multiple_of3A] : memref<2x320000xi32, #tpu.memory_space<hbm>> -> memref<1x128xi32, #tpu.memory_space<hbm>>
        %dma_start3A_50 = tpu.memref_squeeze %dma_start3A_49 : memref<1x128xi32, #tpu.memory_space<hbm>> -> memref<128xi32, #tpu.memory_space<hbm>>
        tpu.enqueue_dma source(%dma_start3A_50 : memref<128xi32, #tpu.memory_space<hbm>>) target(%arg6 : memref<128xi32, #tpu.memory_space<vmem>>) target_semaphore(%run_scoped3A_46 : memref<!tpu.dma_semaphore, #tpu.memory_space<semaphore_mem>>)
        %dma_wait3A_51 = tpu.memref_slice %arg3[%run_scoped3A, %multiple_of3A] : memref<2x320000xi32, #tpu.memory_space<hbm>> -> memref<1x128xi32, #tpu.memory_space<hbm>>
        %dma_wait3A_52 = tpu.memref_squeeze %dma_wait3A_51 : memref<1x128xi32, #tpu.memory_space<hbm>> -> memref<128xi32, #tpu.memory_space<hbm>>
        %dma_wait3A_53 = tpu.memref_slice %arg3[%run_scoped3A, %multiple_of3A] : memref<2x320000xi32, #tpu.memory_space<hbm>> -> memref<1x128xi32, #tpu.memory_space<hbm>>
        %dma_wait3A_54 = tpu.memref_squeeze %dma_wait3A_53 : memref<1x128xi32, #tpu.memory_space<hbm>> -> memref<128xi32, #tpu.memory_space<hbm>>
        tpu.wait_dma2 semaphore(%run_scoped3A_46 : memref<!tpu.dma_semaphore, #tpu.memory_space<semaphore_mem>>) src(%dma_wait3A_54 : memref<128xi32, #tpu.memory_space<hbm>>) dst(%arg6 : memref<128xi32, #tpu.memory_space<vmem>>)
        tpu.yield
      }) : () -> ()
      %run_scoped3A_35 = arith.constant 1 : i32
      "tpu.region"() ({
        %run_scoped3A_46 = tpu.sem_alloc : memref<!tpu.dma_semaphore, #tpu.memory_space<semaphore_mem>>
        %dma_start3A_47 = tpu.memref_slice %arg3[%run_scoped3A_35, %multiple_of3A] : memref<2x320000xi32, #tpu.memory_space<hbm>> -> memref<1x128xi32, #tpu.memory_space<hbm>>
        %dma_start3A_48 = tpu.memref_squeeze %dma_start3A_47 : memref<1x128xi32, #tpu.memory_space<hbm>> -> memref<128xi32, #tpu.memory_space<hbm>>
        %dma_start3A_49 = tpu.memref_slice %arg3[%run_scoped3A_35, %multiple_of3A] : memref<2x320000xi32, #tpu.memory_space<hbm>> -> memref<1x128xi32, #tpu.memory_space<hbm>>
        %dma_start3A_50 = tpu.memref_squeeze %dma_start3A_49 : memref<1x128xi32, #tpu.memory_space<hbm>> -> memref<128xi32, #tpu.memory_space<hbm>>
        tpu.enqueue_dma source(%dma_start3A_50 : memref<128xi32, #tpu.memory_space<hbm>>) target(%arg7 : memref<128xi32, #tpu.memory_space<vmem>>) target_semaphore(%run_scoped3A_46 : memref<!tpu.dma_semaphore, #tpu.memory_space<semaphore_mem>>)
        %dma_wait3A_51 = tpu.memref_slice %arg3[%run_scoped3A_35, %multiple_of3A] : memref<2x320000xi32, #tpu.memory_space<hbm>> -> memref<1x128xi32, #tpu.memory_space<hbm>>
        %dma_wait3A_52 = tpu.memref_squeeze %dma_wait3A_51 : memref<1x128xi32, #tpu.memory_space<hbm>> -> memref<128xi32, #tpu.memory_space<hbm>>
        %dma_wait3A_53 = tpu.memref_slice %arg3[%run_scoped3A_35, %multiple_of3A] : memref<2x320000xi32, #tpu.memory_space<hbm>> -> memref<1x128xi32, #tpu.memory_space<hbm>>
        %dma_wait3A_54 = tpu.memref_squeeze %dma_wait3A_53 : memref<1x128xi32, #tpu.memory_space<hbm>> -> memref<128xi32, #tpu.memory_space<hbm>>
        tpu.wait_dma2 semaphore(%run_scoped3A_46 : memref<!tpu.dma_semaphore, #tpu.memory_space<semaphore_mem>>) src(%dma_wait3A_54 : memref<128xi32, #tpu.memory_space<hbm>>) dst(%arg7 : memref<128xi32, #tpu.memory_space<vmem>>)
        tpu.yield
      }) : () -> ()
      "tpu.region"() ({
        %run_scoped3A_46 = tpu.sem_alloc : memref<!tpu.dma_semaphore, #tpu.memory_space<semaphore_mem>>
        %dma_start3A_47 = tpu.memref_slice %arg4[%multiple_of3A] : memref<320000xf32, #tpu.memory_space<hbm>> -> memref<128xf32, #tpu.memory_space<hbm>>
        %dma_start3A_48 = tpu.memref_slice %arg4[%multiple_of3A] : memref<320000xf32, #tpu.memory_space<hbm>> -> memref<128xf32, #tpu.memory_space<hbm>>
        tpu.enqueue_dma source(%dma_start3A_48 : memref<128xf32, #tpu.memory_space<hbm>>) target(%arg8 : memref<128xf32, #tpu.memory_space<vmem>>) target_semaphore(%run_scoped3A_46 : memref<!tpu.dma_semaphore, #tpu.memory_space<semaphore_mem>>)
        %dma_wait3A_49 = tpu.memref_slice %arg4[%multiple_of3A] : memref<320000xf32, #tpu.memory_space<hbm>> -> memref<128xf32, #tpu.memory_space<hbm>>
        %dma_wait3A_50 = tpu.memref_slice %arg4[%multiple_of3A] : memref<320000xf32, #tpu.memory_space<hbm>> -> memref<128xf32, #tpu.memory_space<hbm>>
        tpu.wait_dma2 semaphore(%run_scoped3A_46 : memref<!tpu.dma_semaphore, #tpu.memory_space<semaphore_mem>>) src(%dma_wait3A_50 : memref<128xf32, #tpu.memory_space<hbm>>) dst(%arg8 : memref<128xf32, #tpu.memory_space<vmem>>)
        tpu.yield
      }) : () -> ()
      %dma_start3A = arith.constant 0 : i32
      %dma_start3A_36 = arith.constant 0 : i32
      %dma_start3A_37 = tpu.memref_slice %arg2[%dma_start3A, %dma_start3A_36] : memref<10000x16xf32, #tpu.memory_space<hbm>> -> memref<10000x16xf32, #tpu.memory_space<hbm>>
      tpu.enqueue_indirect_dma source(%dma_start3A_37 : memref<10000x16xf32, #tpu.memory_space<hbm>>) target(%arg9 : memref<128x16xf32, #tpu.memory_space<vmem>>) offsets(%arg7 : memref<128xi32, #tpu.memory_space<vmem>>) semaphore(%arg12 : memref<!tpu.dma_semaphore, #tpu.memory_space<semaphore_mem>>)
      %dma_wait3A = arith.constant 0 : i32
      %dma_wait3A_38 = arith.constant 0 : i32
      %dma_wait3A_39 = tpu.memref_slice %arg2[%dma_wait3A, %dma_wait3A_38] : memref<10000x16xf32, #tpu.memory_space<hbm>> -> memref<10000x16xf32, #tpu.memory_space<hbm>>
      tpu.wait_indirect_dma semaphore(%arg12 : memref<!tpu.dma_semaphore, #tpu.memory_space<semaphore_mem>>) src(%dma_wait3A_39 : memref<10000x16xf32, #tpu.memory_space<hbm>>) dst(%arg9 : memref<128x16xf32, #tpu.memory_space<vmem>>)
      %scan3A_40 = arith.constant 0 : i32
      %scan3A_41 = arith.constant 0 : i32
      %scan3A_42 = arith.constant 8 : i32
      %scan3A_43 = arith.addi %scan3A_41, %scan3A_42 : i32
      %scan3A_44 = arith.constant 1 : i32
      scf.for %scan3A_46 = %scan3A_41 to %scan3A_43 step %scan3A_44  : i32 {
        %mul3A_47 = arith.constant 16 : i32
        %mul3A_48 = arith.muli %scan3A_46, %mul3A_47 : i32
        %multiple_of3A_49 = tpu.assume_multiple %mul3A_48, 16 : i32
        %get3A = arith.index_cast %multiple_of3A_49 : i32 to index
        %get3A_50 = tpu.vector_load %arg8[%get3A] {strides = array<i32>} : memref<128xf32, #tpu.memory_space<vmem>>, vector<16xf32>,
        %get3A_51 = vector.shape_cast %get3A_50 : vector<16xf32> to vector<16xf32>
        %add3A_52 = arith.constant 0 : i32
        %add3A_53 = arith.addi %multiple_of3A_49, %add3A_52 : i32
        %get3A_54 = arith.index_cast %add3A_53 : i32 to index
        %get3A_55 = arith.constant 0 : index
        %get3A_56 = tpu.vector_load %arg9[%get3A_54, %get3A_55] {strides = array<i32>} : memref<128x16xf32, #tpu.memory_space<vmem>>, vector<1x16xf32>,
        %get3A_57 = vector.shape_cast %get3A_56 : vector<1x16xf32> to vector<16xf32>
        %slice3A = vector.extract_strided_slice %get3A_51 {offsets = [0], sizes = [1], strides = [1]} : vector<16xf32> to vector<1xf32>
        %squeeze3A = vector.extract %slice3A[0] : f32 from vector<1xf32>
        %mul3A_58 = vector.broadcast %squeeze3A : f32 to vector<16xf32>
        %mul3A_59 = arith.mulf %get3A_57, %mul3A_58 : vector<16xf32>
        %add3A_60 = arith.constant 0 : i32
        %add3A_61 = arith.addi %multiple_of3A_49, %add3A_60 : i32
        %swap3A = arith.index_cast %add3A_61 : i32 to index
        %swap3A_62 = arith.constant 0 : index
        %swap3A_63 = tpu.vector_load %arg9[%swap3A, %swap3A_62] {strides = array<i32>} : memref<128x16xf32, #tpu.memory_space<vmem>>, vector<1x16xf32>,
        %swap3A_64 = vector.shape_cast %swap3A_63 : vector<1x16xf32> to vector<16xf32>
        %swap3A_65 = vector.shape_cast %mul3A_59 : vector<16xf32> to vector<1x16xf32>
        tpu.vector_store %arg9[%swap3A, %swap3A_62], %swap3A_65 {strides = array<i32>} : memref<128x16xf32, #tpu.memory_space<vmem>>, vector<1x16xf32>,
        %add3A_66 = arith.constant 1 : i32
        %add3A_67 = arith.addi %multiple_of3A_49, %add3A_66 : i32
        %get3A_68 = arith.index_cast %add3A_67 : i32 to index
        %get3A_69 = arith.constant 0 : index
        %get3A_70 = tpu.vector_load %arg9[%get3A_68, %get3A_69] {strides = array<i32>} : memref<128x16xf32, #tpu.memory_space<vmem>>, vector<1x16xf32>,
        %get3A_71 = vector.shape_cast %get3A_70 : vector<1x16xf32> to vector<16xf32>
        %slice3A_72 = vector.extract_strided_slice %get3A_51 {offsets = [1], sizes = [1], strides = [1]} : vector<16xf32> to vector<1xf32>
        %squeeze3A_73 = vector.extract %slice3A_72[0] : f32 from vector<1xf32>
        %mul3A_74 = vector.broadcast %squeeze3A_73 : f32 to vector<16xf32>
        %mul3A_75 = arith.mulf %get3A_71, %mul3A_74 : vector<16xf32>
        %add3A_76 = arith.constant 1 : i32
        %add3A_77 = arith.addi %multiple_of3A_49, %add3A_76 : i32
        %swap3A_78 = arith.index_cast %add3A_77 : i32 to index
        %swap3A_79 = arith.constant 0 : index
        %swap3A_80 = tpu.vector_load %arg9[%swap3A_78, %swap3A_79] {strides = array<i32>} : memref<128x16xf32, #tpu.memory_space<vmem>>, vector<1x16xf32>,
        %swap3A_81 = vector.shape_cast %swap3A_80 : vector<1x16xf32> to vector<16xf32>
        %swap3A_82 = vector.shape_cast %mul3A_75 : vector<16xf32> to vector<1x16xf32>
        tpu.vector_store %arg9[%swap3A_78, %swap3A_79], %swap3A_82 {strides = array<i32>} : memref<128x16xf32, #tpu.memory_space<vmem>>, vector<1x16xf32>,
        %add3A_83 = arith.constant 2 : i32
        %add3A_84 = arith.addi %multiple_of3A_49, %add3A_83 : i32
        %get3A_85 = arith.index_cast %add3A_84 : i32 to index
        %get3A_86 = arith.constant 0 : index
        %get3A_87 = tpu.vector_load %arg9[%get3A_85, %get3A_86] {strides = array<i32>} : memref<128x16xf32, #tpu.memory_space<vmem>>, vector<1x16xf32>,
        %get3A_88 = vector.shape_cast %get3A_87 : vector<1x16xf32> to vector<16xf32>
        %slice3A_89 = vector.extract_strided_slice %get3A_51 {offsets = [2], sizes = [1], strides = [1]} : vector<16xf32> to vector<1xf32>
        %squeeze3A_90 = vector.extract %slice3A_89[0] : f32 from vector<1xf32>
        %mul3A_91 = vector.broadcast %squeeze3A_90 : f32 to vector<16xf32>
        %mul3A_92 = arith.mulf %get3A_88, %mul3A_91 : vector<16xf32>
        %add3A_93 = arith.constant 2 : i32
        %add3A_94 = arith.addi %multiple_of3A_49, %add3A_93 : i32
        %swap3A_95 = arith.index_cast %add3A_94 : i32 to index
        %swap3A_96 = arith.constant 0 : index
        %swap3A_97 = tpu.vector_load %arg9[%swap3A_95, %swap3A_96] {strides = array<i32>} : memref<128x16xf32, #tpu.memory_space<vmem>>, vector<1x16xf32>,
        %swap3A_98 = vector.shape_cast %swap3A_97 : vector<1x16xf32> to vector<16xf32>
        %swap3A_99 = vector.shape_cast %mul3A_92 : vector<16xf32> to vector<1x16xf32>
        tpu.vector_store %arg9[%swap3A_95, %swap3A_96], %swap3A_99 {strides = array<i32>} : memref<128x16xf32, #tpu.memory_space<vmem>>, vector<1x16xf32>,
        %add3A_100 = arith.constant 3 : i32
        %add3A_101 = arith.addi %multiple_of3A_49, %add3A_100 : i32
        %get3A_102 = arith.index_cast %add3A_101 : i32 to index
        %get3A_103 = arith.constant 0 : index
        %get3A_104 = tpu.vector_load %arg9[%get3A_102, %get3A_103] {strides = array<i32>} : memref<128x16xf32, #tpu.memory_space<vmem>>, vector<1x16xf32>,
        %get3A_105 = vector.shape_cast %get3A_104 : vector<1x16xf32> to vector<16xf32>
        %slice3A_106 = vector.extract_strided_slice %get3A_51 {offsets = [3], sizes = [1], strides = [1]} : vector<16xf32> to vector<1xf32>
        %squeeze3A_107 = vector.extract %slice3A_106[0] : f32 from vector<1xf32>
        %mul3A_108 = vector.broadcast %squeeze3A_107 : f32 to vector<16xf32>
        %mul3A_109 = arith.mulf %get3A_105, %mul3A_108 : vector<16xf32>
        %add3A_110 = arith.constant 3 : i32
        %add3A_111 = arith.addi %multiple_of3A_49, %add3A_110 : i32
        %swap3A_112 = arith.index_cast %add3A_111 : i32 to index
        %swap3A_113 = arith.constant 0 : index
        %swap3A_114 = tpu.vector_load %arg9[%swap3A_112, %swap3A_113] {strides = array<i32>} : memref<128x16xf32, #tpu.memory_space<vmem>>, vector<1x16xf32>,
        %swap3A_115 = vector.shape_cast %swap3A_114 : vector<1x16xf32> to vector<16xf32>
        %swap3A_116 = vector.shape_cast %mul3A_109 : vector<16xf32> to vector<1x16xf32>
        tpu.vector_store %arg9[%swap3A_112, %swap3A_113], %swap3A_116 {strides = array<i32>} : memref<128x16xf32, #tpu.memory_space<vmem>>, vector<1x16xf32>,
        %add3A_117 = arith.constant 4 : i32
        %add3A_118 = arith.addi %multiple_of3A_49, %add3A_117 : i32
        %get3A_119 = arith.index_cast %add3A_118 : i32 to index
        %get3A_120 = arith.constant 0 : index
        %get3A_121 = tpu.vector_load %arg9[%get3A_119, %get3A_120] {strides = array<i32>} : memref<128x16xf32, #tpu.memory_space<vmem>>, vector<1x16xf32>,
        %get3A_122 = vector.shape_cast %get3A_121 : vector<1x16xf32> to vector<16xf32>
        %slice3A_123 = vector.extract_strided_slice %get3A_51 {offsets = [4], sizes = [1], strides = [1]} : vector<16xf32> to vector<1xf32>
        %squeeze3A_124 = vector.extract %slice3A_123[0] : f32 from vector<1xf32>
        %mul3A_125 = vector.broadcast %squeeze3A_124 : f32 to vector<16xf32>
        %mul3A_126 = arith.mulf %get3A_122, %mul3A_125 : vector<16xf32>
        %add3A_127 = arith.constant 4 : i32
        %add3A_128 = arith.addi %multiple_of3A_49, %add3A_127 : i32
        %swap3A_129 = arith.index_cast %add3A_128 : i32 to index
        %swap3A_130 = arith.constant 0 : index
        %swap3A_131 = tpu.vector_load %arg9[%swap3A_129, %swap3A_130] {strides = array<i32>} : memref<128x16xf32, #tpu.memory_space<vmem>>, vector<1x16xf32>,
        %swap3A_132 = vector.shape_cast %swap3A_131 : vector<1x16xf32> to vector<16xf32>
        %swap3A_133 = vector.shape_cast %mul3A_126 : vector<16xf32> to vector<1x16xf32>
        tpu.vector_store %arg9[%swap3A_129, %swap3A_130], %swap3A_133 {strides = array<i32>} : memref<128x16xf32, #tpu.memory_space<vmem>>, vector<1x16xf32>,
        %add3A_134 = arith.constant 5 : i32
        %add3A_135 = arith.addi %multiple_of3A_49, %add3A_134 : i32
        %get3A_136 = arith.index_cast %add3A_135 : i32 to index
        %get3A_137 = arith.constant 0 : index
        %get3A_138 = tpu.vector_load %arg9[%get3A_136, %get3A_137] {strides = array<i32>} : memref<128x16xf32, #tpu.memory_space<vmem>>, vector<1x16xf32>,
        %get3A_139 = vector.shape_cast %get3A_138 : vector<1x16xf32> to vector<16xf32>
        %slice3A_140 = vector.extract_strided_slice %get3A_51 {offsets = [5], sizes = [1], strides = [1]} : vector<16xf32> to vector<1xf32>
        %squeeze3A_141 = vector.extract %slice3A_140[0] : f32 from vector<1xf32>
        %mul3A_142 = vector.broadcast %squeeze3A_141 : f32 to vector<16xf32>
        %mul3A_143 = arith.mulf %get3A_139, %mul3A_142 : vector<16xf32>
        %add3A_144 = arith.constant 5 : i32
        %add3A_145 = arith.addi %multiple_of3A_49, %add3A_144 : i32
        %swap3A_146 = arith.index_cast %add3A_145 : i32 to index
        %swap3A_147 = arith.constant 0 : index
        %swap3A_148 = tpu.vector_load %arg9[%swap3A_146, %swap3A_147] {strides = array<i32>} : memref<128x16xf32, #tpu.memory_space<vmem>>, vector<1x16xf32>,
        %swap3A_149 = vector.shape_cast %swap3A_148 : vector<1x16xf32> to vector<16xf32>
        %swap3A_150 = vector.shape_cast %mul3A_143 : vector<16xf32> to vector<1x16xf32>
        tpu.vector_store %arg9[%swap3A_146, %swap3A_147], %swap3A_150 {strides = array<i32>} : memref<128x16xf32, #tpu.memory_space<vmem>>, vector<1x16xf32>,
        %add3A_151 = arith.constant 6 : i32
        %add3A_152 = arith.addi %multiple_of3A_49, %add3A_151 : i32
        %get3A_153 = arith.index_cast %add3A_152 : i32 to index
        %get3A_154 = arith.constant 0 : index
        %get3A_155 = tpu.vector_load %arg9[%get3A_153, %get3A_154] {strides = array<i32>} : memref<128x16xf32, #tpu.memory_space<vmem>>, vector<1x16xf32>,
        %get3A_156 = vector.shape_cast %get3A_155 : vector<1x16xf32> to vector<16xf32>
        %slice3A_157 = vector.extract_strided_slice %get3A_51 {offsets = [6], sizes = [1], strides = [1]} : vector<16xf32> to vector<1xf32>
        %squeeze3A_158 = vector.extract %slice3A_157[0] : f32 from vector<1xf32>
        %mul3A_159 = vector.broadcast %squeeze3A_158 : f32 to vector<16xf32>
        %mul3A_160 = arith.mulf %get3A_156, %mul3A_159 : vector<16xf32>
        %add3A_161 = arith.constant 6 : i32
        %add3A_162 = arith.addi %multiple_of3A_49, %add3A_161 : i32
        %swap3A_163 = arith.index_cast %add3A_162 : i32 to index
        %swap3A_164 = arith.constant 0 : index
        %swap3A_165 = tpu.vector_load %arg9[%swap3A_163, %swap3A_164] {strides = array<i32>} : memref<128x16xf32, #tpu.memory_space<vmem>>, vector<1x16xf32>,
        %swap3A_166 = vector.shape_cast %swap3A_165 : vector<1x16xf32> to vector<16xf32>
        %swap3A_167 = vector.shape_cast %mul3A_160 : vector<16xf32> to vector<1x16xf32>
        tpu.vector_store %arg9[%swap3A_163, %swap3A_164], %swap3A_167 {strides = array<i32>} : memref<128x16xf32, #tpu.memory_space<vmem>>, vector<1x16xf32>,
        %add3A_168 = arith.constant 7 : i32
        %add3A_169 = arith.addi %multiple_of3A_49, %add3A_168 : i32
        %get3A_170 = arith.index_cast %add3A_169 : i32 to index
        %get3A_171 = arith.constant 0 : index
        %get3A_172 = tpu.vector_load %arg9[%get3A_170, %get3A_171] {strides = array<i32>} : memref<128x16xf32, #tpu.memory_space<vmem>>, vector<1x16xf32>,
        %get3A_173 = vector.shape_cast %get3A_172 : vector<1x16xf32> to vector<16xf32>
        %slice3A_174 = vector.extract_strided_slice %get3A_51 {offsets = [7], sizes = [1], strides = [1]} : vector<16xf32> to vector<1xf32>
        %squeeze3A_175 = vector.extract %slice3A_174[0] : f32 from vector<1xf32>
        %mul3A_176 = vector.broadcast %squeeze3A_175 : f32 to vector<16xf32>
        %mul3A_177 = arith.mulf %get3A_173, %mul3A_176 : vector<16xf32>
        %add3A_178 = arith.constant 7 : i32
        %add3A_179 = arith.addi %multiple_of3A_49, %add3A_178 : i32
        %swap3A_180 = arith.index_cast %add3A_179 : i32 to index
        %swap3A_181 = arith.constant 0 : index
        %swap3A_182 = tpu.vector_load %arg9[%swap3A_180, %swap3A_181] {strides = array<i32>} : memref<128x16xf32, #tpu.memory_space<vmem>>, vector<1x16xf32>,
        %swap3A_183 = vector.shape_cast %swap3A_182 : vector<1x16xf32> to vector<16xf32>
        %swap3A_184 = vector.shape_cast %mul3A_177 : vector<16xf32> to vector<1x16xf32>
        tpu.vector_store %arg9[%swap3A_180, %swap3A_181], %swap3A_184 {strides = array<i32>} : memref<128x16xf32, #tpu.memory_space<vmem>>, vector<1x16xf32>,
        %add3A_185 = arith.constant 8 : i32
        %add3A_186 = arith.addi %multiple_of3A_49, %add3A_185 : i32
        %get3A_187 = arith.index_cast %add3A_186 : i32 to index
        %get3A_188 = arith.constant 0 : index
        %get3A_189 = tpu.vector_load %arg9[%get3A_187, %get3A_188] {strides = array<i32>} : memref<128x16xf32, #tpu.memory_space<vmem>>, vector<1x16xf32>,
        %get3A_190 = vector.shape_cast %get3A_189 : vector<1x16xf32> to vector<16xf32>
        %slice3A_191 = vector.extract_strided_slice %get3A_51 {offsets = [8], sizes = [1], strides = [1]} : vector<16xf32> to vector<1xf32>
        %squeeze3A_192 = vector.extract %slice3A_191[0] : f32 from vector<1xf32>
        %mul3A_193 = vector.broadcast %squeeze3A_192 : f32 to vector<16xf32>
        %mul3A_194 = arith.mulf %get3A_190, %mul3A_193 : vector<16xf32>
        %add3A_195 = arith.constant 8 : i32
        %add3A_196 = arith.addi %multiple_of3A_49, %add3A_195 : i32
        %swap3A_197 = arith.index_cast %add3A_196 : i32 to index
        %swap3A_198 = arith.constant 0 : index
        %swap3A_199 = tpu.vector_load %arg9[%swap3A_197, %swap3A_198] {strides = array<i32>} : memref<128x16xf32, #tpu.memory_space<vmem>>, vector<1x16xf32>,
        %swap3A_200 = vector.shape_cast %swap3A_199 : vector<1x16xf32> to vector<16xf32>
        %swap3A_201 = vector.shape_cast %mul3A_194 : vector<16xf32> to vector<1x16xf32>
        tpu.vector_store %arg9[%swap3A_197, %swap3A_198], %swap3A_201 {strides = array<i32>} : memref<128x16xf32, #tpu.memory_space<vmem>>, vector<1x16xf32>,
        %add3A_202 = arith.constant 9 : i32
        %add3A_203 = arith.addi %multiple_of3A_49, %add3A_202 : i32
        %get3A_204 = arith.index_cast %add3A_203 : i32 to index
        %get3A_205 = arith.constant 0 : index
        %get3A_206 = tpu.vector_load %arg9[%get3A_204, %get3A_205] {strides = array<i32>} : memref<128x16xf32, #tpu.memory_space<vmem>>, vector<1x16xf32>,
        %get3A_207 = vector.shape_cast %get3A_206 : vector<1x16xf32> to vector<16xf32>
        %slice3A_208 = vector.extract_strided_slice %get3A_51 {offsets = [9], sizes = [1], strides = [1]} : vector<16xf32> to vector<1xf32>
        %squeeze3A_209 = vector.extract %slice3A_208[0] : f32 from vector<1xf32>
        %mul3A_210 = vector.broadcast %squeeze3A_209 : f32 to vector<16xf32>
        %mul3A_211 = arith.mulf %get3A_207, %mul3A_210 : vector<16xf32>
        %add3A_212 = arith.constant 9 : i32
        %add3A_213 = arith.addi %multiple_of3A_49, %add3A_212 : i32
        %swap3A_214 = arith.index_cast %add3A_213 : i32 to index
        %swap3A_215 = arith.constant 0 : index
        %swap3A_216 = tpu.vector_load %arg9[%swap3A_214, %swap3A_215] {strides = array<i32>} : memref<128x16xf32, #tpu.memory_space<vmem>>, vector<1x16xf32>,
        %swap3A_217 = vector.shape_cast %swap3A_216 : vector<1x16xf32> to vector<16xf32>
        %swap3A_218 = vector.shape_cast %mul3A_211 : vector<16xf32> to vector<1x16xf32>
        tpu.vector_store %arg9[%swap3A_214, %swap3A_215], %swap3A_218 {strides = array<i32>} : memref<128x16xf32, #tpu.memory_space<vmem>>, vector<1x16xf32>,
        %add3A_219 = arith.constant 10 : i32
        %add3A_220 = arith.addi %multiple_of3A_49, %add3A_219 : i32
        %get3A_221 = arith.index_cast %add3A_220 : i32 to index
        %get3A_222 = arith.constant 0 : index
        %get3A_223 = tpu.vector_load %arg9[%get3A_221, %get3A_222] {strides = array<i32>} : memref<128x16xf32, #tpu.memory_space<vmem>>, vector<1x16xf32>,
        %get3A_224 = vector.shape_cast %get3A_223 : vector<1x16xf32> to vector<16xf32>
        %slice3A_225 = vector.extract_strided_slice %get3A_51 {offsets = [10], sizes = [1], strides = [1]} : vector<16xf32> to vector<1xf32>
        %squeeze3A_226 = vector.extract %slice3A_225[0] : f32 from vector<1xf32>
        %mul3A_227 = vector.broadcast %squeeze3A_226 : f32 to vector<16xf32>
        %mul3A_228 = arith.mulf %get3A_224, %mul3A_227 : vector<16xf32>
        %add3A_229 = arith.constant 10 : i32
        %add3A_230 = arith.addi %multiple_of3A_49, %add3A_229 : i32
        %swap3A_231 = arith.index_cast %add3A_230 : i32 to index
        %swap3A_232 = arith.constant 0 : index
        %swap3A_233 = tpu.vector_load %arg9[%swap3A_231, %swap3A_232] {strides = array<i32>} : memref<128x16xf32, #tpu.memory_space<vmem>>, vector<1x16xf32>,
        %swap3A_234 = vector.shape_cast %swap3A_233 : vector<1x16xf32> to vector<16xf32>
        %swap3A_235 = vector.shape_cast %mul3A_228 : vector<16xf32> to vector<1x16xf32>
        tpu.vector_store %arg9[%swap3A_231, %swap3A_232], %swap3A_235 {strides = array<i32>} : memref<128x16xf32, #tpu.memory_space<vmem>>, vector<1x16xf32>,
        %add3A_236 = arith.constant 11 : i32
        %add3A_237 = arith.addi %multiple_of3A_49, %add3A_236 : i32
        %get3A_238 = arith.index_cast %add3A_237 : i32 to index
        %get3A_239 = arith.constant 0 : index
        %get3A_240 = tpu.vector_load %arg9[%get3A_238, %get3A_239] {strides = array<i32>} : memref<128x16xf32, #tpu.memory_space<vmem>>, vector<1x16xf32>,
        %get3A_241 = vector.shape_cast %get3A_240 : vector<1x16xf32> to vector<16xf32>
        %slice3A_242 = vector.extract_strided_slice %get3A_51 {offsets = [11], sizes = [1], strides = [1]} : vector<16xf32> to vector<1xf32>
        %squeeze3A_243 = vector.extract %slice3A_242[0] : f32 from vector<1xf32>
        %mul3A_244 = vector.broadcast %squeeze3A_243 : f32 to vector<16xf32>
        %mul3A_245 = arith.mulf %get3A_241, %mul3A_244 : vector<16xf32>
        %add3A_246 = arith.constant 11 : i32
        %add3A_247 = arith.addi %multiple_of3A_49, %add3A_246 : i32
        %swap3A_248 = arith.index_cast %add3A_247 : i32 to index
        %swap3A_249 = arith.constant 0 : index
        %swap3A_250 = tpu.vector_load %arg9[%swap3A_248, %swap3A_249] {strides = array<i32>} : memref<128x16xf32, #tpu.memory_space<vmem>>, vector<1x16xf32>,
        %swap3A_251 = vector.shape_cast %swap3A_250 : vector<1x16xf32> to vector<16xf32>
        %swap3A_252 = vector.shape_cast %mul3A_245 : vector<16xf32> to vector<1x16xf32>
        tpu.vector_store %arg9[%swap3A_248, %swap3A_249], %swap3A_252 {strides = array<i32>} : memref<128x16xf32, #tpu.memory_space<vmem>>, vector<1x16xf32>,
        %add3A_253 = arith.constant 12 : i32
        %add3A_254 = arith.addi %multiple_of3A_49, %add3A_253 : i32
        %get3A_255 = arith.index_cast %add3A_254 : i32 to index
        %get3A_256 = arith.constant 0 : index
        %get3A_257 = tpu.vector_load %arg9[%get3A_255, %get3A_256] {strides = array<i32>} : memref<128x16xf32, #tpu.memory_space<vmem>>, vector<1x16xf32>,
        %get3A_258 = vector.shape_cast %get3A_257 : vector<1x16xf32> to vector<16xf32>
        %slice3A_259 = vector.extract_strided_slice %get3A_51 {offsets = [12], sizes = [1], strides = [1]} : vector<16xf32> to vector<1xf32>
        %squeeze3A_260 = vector.extract %slice3A_259[0] : f32 from vector<1xf32>
        %mul3A_261 = vector.broadcast %squeeze3A_260 : f32 to vector<16xf32>
        %mul3A_262 = arith.mulf %get3A_258, %mul3A_261 : vector<16xf32>
        %add3A_263 = arith.constant 12 : i32
        %add3A_264 = arith.addi %multiple_of3A_49, %add3A_263 : i32
        %swap3A_265 = arith.index_cast %add3A_264 : i32 to index
        %swap3A_266 = arith.constant 0 : index
        %swap3A_267 = tpu.vector_load %arg9[%swap3A_265, %swap3A_266] {strides = array<i32>} : memref<128x16xf32, #tpu.memory_space<vmem>>, vector<1x16xf32>,
        %swap3A_268 = vector.shape_cast %swap3A_267 : vector<1x16xf32> to vector<16xf32>
        %swap3A_269 = vector.shape_cast %mul3A_262 : vector<16xf32> to vector<1x16xf32>
        tpu.vector_store %arg9[%swap3A_265, %swap3A_266], %swap3A_269 {strides = array<i32>} : memref<128x16xf32, #tpu.memory_space<vmem>>, vector<1x16xf32>,
        %add3A_270 = arith.constant 13 : i32
        %add3A_271 = arith.addi %multiple_of3A_49, %add3A_270 : i32
        %get3A_272 = arith.index_cast %add3A_271 : i32 to index
        %get3A_273 = arith.constant 0 : index
        %get3A_274 = tpu.vector_load %arg9[%get3A_272, %get3A_273] {strides = array<i32>} : memref<128x16xf32, #tpu.memory_space<vmem>>, vector<1x16xf32>,
        %get3A_275 = vector.shape_cast %get3A_274 : vector<1x16xf32> to vector<16xf32>
        %slice3A_276 = vector.extract_strided_slice %get3A_51 {offsets = [13], sizes = [1], strides = [1]} : vector<16xf32> to vector<1xf32>
        %squeeze3A_277 = vector.extract %slice3A_276[0] : f32 from vector<1xf32>
        %mul3A_278 = vector.broadcast %squeeze3A_277 : f32 to vector<16xf32>
        %mul3A_279 = arith.mulf %get3A_275, %mul3A_278 : vector<16xf32>
        %add3A_280 = arith.constant 13 : i32
        %add3A_281 = arith.addi %multiple_of3A_49, %add3A_280 : i32
        %swap3A_282 = arith.index_cast %add3A_281 : i32 to index
        %swap3A_283 = arith.constant 0 : index
        %swap3A_284 = tpu.vector_load %arg9[%swap3A_282, %swap3A_283] {strides = array<i32>} : memref<128x16xf32, #tpu.memory_space<vmem>>, vector<1x16xf32>,
        %swap3A_285 = vector.shape_cast %swap3A_284 : vector<1x16xf32> to vector<16xf32>
        %swap3A_286 = vector.shape_cast %mul3A_279 : vector<16xf32> to vector<1x16xf32>
        tpu.vector_store %arg9[%swap3A_282, %swap3A_283], %swap3A_286 {strides = array<i32>} : memref<128x16xf32, #tpu.memory_space<vmem>>, vector<1x16xf32>,
        %add3A_287 = arith.constant 14 : i32
        %add3A_288 = arith.addi %multiple_of3A_49, %add3A_287 : i32
        %get3A_289 = arith.index_cast %add3A_288 : i32 to index
        %get3A_290 = arith.constant 0 : index
        %get3A_291 = tpu.vector_load %arg9[%get3A_289, %get3A_290] {strides = array<i32>} : memref<128x16xf32, #tpu.memory_space<vmem>>, vector<1x16xf32>,
        %get3A_292 = vector.shape_cast %get3A_291 : vector<1x16xf32> to vector<16xf32>
        %slice3A_293 = vector.extract_strided_slice %get3A_51 {offsets = [14], sizes = [1], strides = [1]} : vector<16xf32> to vector<1xf32>
        %squeeze3A_294 = vector.extract %slice3A_293[0] : f32 from vector<1xf32>
        %mul3A_295 = vector.broadcast %squeeze3A_294 : f32 to vector<16xf32>
        %mul3A_296 = arith.mulf %get3A_292, %mul3A_295 : vector<16xf32>
        %add3A_297 = arith.constant 14 : i32
        %add3A_298 = arith.addi %multiple_of3A_49, %add3A_297 : i32
        %swap3A_299 = arith.index_cast %add3A_298 : i32 to index
        %swap3A_300 = arith.constant 0 : index
        %swap3A_301 = tpu.vector_load %arg9[%swap3A_299, %swap3A_300] {strides = array<i32>} : memref<128x16xf32, #tpu.memory_space<vmem>>, vector<1x16xf32>,
        %swap3A_302 = vector.shape_cast %swap3A_301 : vector<1x16xf32> to vector<16xf32>
        %swap3A_303 = vector.shape_cast %mul3A_296 : vector<16xf32> to vector<1x16xf32>
        tpu.vector_store %arg9[%swap3A_299, %swap3A_300], %swap3A_303 {strides = array<i32>} : memref<128x16xf32, #tpu.memory_space<vmem>>, vector<1x16xf32>,
        %add3A_304 = arith.constant 15 : i32
        %add3A_305 = arith.addi %multiple_of3A_49, %add3A_304 : i32
        %get3A_306 = arith.index_cast %add3A_305 : i32 to index
        %get3A_307 = arith.constant 0 : index
        %get3A_308 = tpu.vector_load %arg9[%get3A_306, %get3A_307] {strides = array<i32>} : memref<128x16xf32, #tpu.memory_space<vmem>>, vector<1x16xf32>,
        %get3A_309 = vector.shape_cast %get3A_308 : vector<1x16xf32> to vector<16xf32>
        %slice3A_310 = vector.extract_strided_slice %get3A_51 {offsets = [15], sizes = [1], strides = [1]} : vector<16xf32> to vector<1xf32>
        %squeeze3A_311 = vector.extract %slice3A_310[0] : f32 from vector<1xf32>
        %mul3A_312 = vector.broadcast %squeeze3A_311 : f32 to vector<16xf32>
        %mul3A_313 = arith.mulf %get3A_309, %mul3A_312 : vector<16xf32>
        %add3A_314 = arith.constant 15 : i32
        %add3A_315 = arith.addi %multiple_of3A_49, %add3A_314 : i32
        %swap3A_316 = arith.index_cast %add3A_315 : i32 to index
        %swap3A_317 = arith.constant 0 : index
        %swap3A_318 = tpu.vector_load %arg9[%swap3A_316, %swap3A_317] {strides = array<i32>} : memref<128x16xf32, #tpu.memory_space<vmem>>, vector<1x16xf32>,
        %swap3A_319 = vector.shape_cast %swap3A_318 : vector<1x16xf32> to vector<16xf32>
        %swap3A_320 = vector.shape_cast %mul3A_313 : vector<16xf32> to vector<1x16xf32>
        tpu.vector_store %arg9[%swap3A_316, %swap3A_317], %swap3A_320 {strides = array<i32>} : memref<128x16xf32, #tpu.memory_space<vmem>>, vector<1x16xf32>,
      }
      %scan3A_45 = arith.constant 8 : i32
      "tpu.region"() ({
        %run_scoped3A_46 = tpu.sem_alloc : memref<!tpu.dma_semaphore, #tpu.memory_space<semaphore_mem>>
        %dma_start3A_47 = arith.constant 0 : i32
        %dma_start3A_48 = arith.constant 0 : i32
        %dma_start3A_49 = tpu.memref_slice %arg11[%dma_start3A_47, %dma_start3A_48] : memref<10112x16xf32, #tpu.memory_space<vmem_shared>> -> memref<10112x16xf32, #tpu.memory_space<vmem_shared>>
        tpu.enqueue_indirect_dma source(%arg9 : memref<128x16xf32, #tpu.memory_space<vmem>>) target(%dma_start3A_49 : memref<10112x16xf32, #tpu.memory_space<vmem_shared>>) offsets(%arg6 : memref<128xi32, #tpu.memory_space<vmem>>) semaphore(%run_scoped3A_46 : memref<!tpu.dma_semaphore, #tpu.memory_space<semaphore_mem>>) {add = true}
        %dma_wait3A_50 = arith.constant 0 : i32
        %dma_wait3A_51 = arith.constant 0 : i32
        %dma_wait3A_52 = tpu.memref_slice %arg11[%dma_wait3A_50, %dma_wait3A_51] : memref<10112x16xf32, #tpu.memory_space<vmem_shared>> -> memref<10112x16xf32, #tpu.memory_space<vmem_shared>>
        tpu.wait_indirect_dma semaphore(%run_scoped3A_46 : memref<!tpu.dma_semaphore, #tpu.memory_space<semaphore_mem>>) src(%arg9 : memref<128x16xf32, #tpu.memory_space<vmem>>) dst(%dma_wait3A_52 : memref<10112x16xf32, #tpu.memory_space<vmem_shared>>)
        tpu.yield
      }) : () -> ()
    }
    %while3A_25 = arith.constant 1 : i32
    scf.for %while3A_31 = %while3A_23 to %while3A_19 step %while3A_25  : i32 {
      %add3A_32 = arith.addi %add3A_12, %while3A_31 : i32
      %mul3A_33 = arith.constant 128 : i32
      %mul3A_34 = arith.muli %add3A_32, %mul3A_33 : i32
      %multiple_of3A = tpu.assume_multiple %mul3A_34, 128 : i32
      %run_scoped3A = arith.constant 0 : i32
      "tpu.region"() ({
        %run_scoped3A_46 = tpu.sem_alloc : memref<!tpu.dma_semaphore, #tpu.memory_space<semaphore_mem>>
        %dma_start3A_47 = tpu.memref_slice %arg3[%run_scoped3A, %multiple_of3A] : memref<2x320000xi32, #tpu.memory_space<hbm>> -> memref<1x128xi32, #tpu.memory_space<hbm>>
        %dma_start3A_48 = tpu.memref_squeeze %dma_start3A_47 : memref<1x128xi32, #tpu.memory_space<hbm>> -> memref<128xi32, #tpu.memory_space<hbm>>
        %dma_start3A_49 = tpu.memref_slice %arg3[%run_scoped3A, %multiple_of3A] : memref<2x320000xi32, #tpu.memory_space<hbm>> -> memref<1x128xi32, #tpu.memory_space<hbm>>
        %dma_start3A_50 = tpu.memref_squeeze %dma_start3A_49 : memref<1x128xi32, #tpu.memory_space<hbm>> -> memref<128xi32, #tpu.memory_space<hbm>>
        tpu.enqueue_dma source(%dma_start3A_50 : memref<128xi32, #tpu.memory_space<hbm>>) target(%arg6 : memref<128xi32, #tpu.memory_space<vmem>>) target_semaphore(%run_scoped3A_46 : memref<!tpu.dma_semaphore, #tpu.memory_space<semaphore_mem>>)
        %dma_wait3A_51 = tpu.memref_slice %arg3[%run_scoped3A, %multiple_of3A] : memref<2x320000xi32, #tpu.memory_space<hbm>> -> memref<1x128xi32, #tpu.memory_space<hbm>>
        %dma_wait3A_52 = tpu.memref_squeeze %dma_wait3A_51 : memref<1x128xi32, #tpu.memory_space<hbm>> -> memref<128xi32, #tpu.memory_space<hbm>>
        %dma_wait3A_53 = tpu.memref_slice %arg3[%run_scoped3A, %multiple_of3A] : memref<2x320000xi32, #tpu.memory_space<hbm>> -> memref<1x128xi32, #tpu.memory_space<hbm>>
        %dma_wait3A_54 = tpu.memref_squeeze %dma_wait3A_53 : memref<1x128xi32, #tpu.memory_space<hbm>> -> memref<128xi32, #tpu.memory_space<hbm>>
        tpu.wait_dma2 semaphore(%run_scoped3A_46 : memref<!tpu.dma_semaphore, #tpu.memory_space<semaphore_mem>>) src(%dma_wait3A_54 : memref<128xi32, #tpu.memory_space<hbm>>) dst(%arg6 : memref<128xi32, #tpu.memory_space<vmem>>)
        tpu.yield
      }) : () -> ()
      %run_scoped3A_35 = arith.constant 1 : i32
      "tpu.region"() ({
        %run_scoped3A_46 = tpu.sem_alloc : memref<!tpu.dma_semaphore, #tpu.memory_space<semaphore_mem>>
        %dma_start3A_47 = tpu.memref_slice %arg3[%run_scoped3A_35, %multiple_of3A] : memref<2x320000xi32, #tpu.memory_space<hbm>> -> memref<1x128xi32, #tpu.memory_space<hbm>>
        %dma_start3A_48 = tpu.memref_squeeze %dma_start3A_47 : memref<1x128xi32, #tpu.memory_space<hbm>> -> memref<128xi32, #tpu.memory_space<hbm>>
        %dma_start3A_49 = tpu.memref_slice %arg3[%run_scoped3A_35, %multiple_of3A] : memref<2x320000xi32, #tpu.memory_space<hbm>> -> memref<1x128xi32, #tpu.memory_space<hbm>>
        %dma_start3A_50 = tpu.memref_squeeze %dma_start3A_49 : memref<1x128xi32, #tpu.memory_space<hbm>> -> memref<128xi32, #tpu.memory_space<hbm>>
        tpu.enqueue_dma source(%dma_start3A_50 : memref<128xi32, #tpu.memory_space<hbm>>) target(%arg7 : memref<128xi32, #tpu.memory_space<vmem>>) target_semaphore(%run_scoped3A_46 : memref<!tpu.dma_semaphore, #tpu.memory_space<semaphore_mem>>)
        %dma_wait3A_51 = tpu.memref_slice %arg3[%run_scoped3A_35, %multiple_of3A] : memref<2x320000xi32, #tpu.memory_space<hbm>> -> memref<1x128xi32, #tpu.memory_space<hbm>>
        %dma_wait3A_52 = tpu.memref_squeeze %dma_wait3A_51 : memref<1x128xi32, #tpu.memory_space<hbm>> -> memref<128xi32, #tpu.memory_space<hbm>>
        %dma_wait3A_53 = tpu.memref_slice %arg3[%run_scoped3A_35, %multiple_of3A] : memref<2x320000xi32, #tpu.memory_space<hbm>> -> memref<1x128xi32, #tpu.memory_space<hbm>>
        %dma_wait3A_54 = tpu.memref_squeeze %dma_wait3A_53 : memref<1x128xi32, #tpu.memory_space<hbm>> -> memref<128xi32, #tpu.memory_space<hbm>>
        tpu.wait_dma2 semaphore(%run_scoped3A_46 : memref<!tpu.dma_semaphore, #tpu.memory_space<semaphore_mem>>) src(%dma_wait3A_54 : memref<128xi32, #tpu.memory_space<hbm>>) dst(%arg7 : memref<128xi32, #tpu.memory_space<vmem>>)
        tpu.yield
      }) : () -> ()
      "tpu.region"() ({
        %run_scoped3A_46 = tpu.sem_alloc : memref<!tpu.dma_semaphore, #tpu.memory_space<semaphore_mem>>
        %dma_start3A_47 = tpu.memref_slice %arg4[%multiple_of3A] : memref<320000xf32, #tpu.memory_space<hbm>> -> memref<128xf32, #tpu.memory_space<hbm>>
        %dma_start3A_48 = tpu.memref_slice %arg4[%multiple_of3A] : memref<320000xf32, #tpu.memory_space<hbm>> -> memref<128xf32, #tpu.memory_space<hbm>>
        tpu.enqueue_dma source(%dma_start3A_48 : memref<128xf32, #tpu.memory_space<hbm>>) target(%arg8 : memref<128xf32, #tpu.memory_space<vmem>>) target_semaphore(%run_scoped3A_46 : memref<!tpu.dma_semaphore, #tpu.memory_space<semaphore_mem>>)
        %dma_wait3A_49 = tpu.memref_slice %arg4[%multiple_of3A] : memref<320000xf32, #tpu.memory_space<hbm>> -> memref<128xf32, #tpu.memory_space<hbm>>
        %dma_wait3A_50 = tpu.memref_slice %arg4[%multiple_of3A] : memref<320000xf32, #tpu.memory_space<hbm>> -> memref<128xf32, #tpu.memory_space<hbm>>
        tpu.wait_dma2 semaphore(%run_scoped3A_46 : memref<!tpu.dma_semaphore, #tpu.memory_space<semaphore_mem>>) src(%dma_wait3A_50 : memref<128xf32, #tpu.memory_space<hbm>>) dst(%arg8 : memref<128xf32, #tpu.memory_space<vmem>>)
        tpu.yield
      }) : () -> ()
      %dma_start3A = arith.constant 0 : i32
      %dma_start3A_36 = arith.constant 0 : i32
      %dma_start3A_37 = tpu.memref_slice %arg2[%dma_start3A, %dma_start3A_36] : memref<10000x16xf32, #tpu.memory_space<hbm>> -> memref<10000x16xf32, #tpu.memory_space<hbm>>
      tpu.enqueue_indirect_dma source(%dma_start3A_37 : memref<10000x16xf32, #tpu.memory_space<hbm>>) target(%arg9 : memref<128x16xf32, #tpu.memory_space<vmem>>) offsets(%arg7 : memref<128xi32, #tpu.memory_space<vmem>>) semaphore(%arg12 : memref<!tpu.dma_semaphore, #tpu.memory_space<semaphore_mem>>)
      %dma_wait3A = arith.constant 0 : i32
      %dma_wait3A_38 = arith.constant 0 : i32
      %dma_wait3A_39 = tpu.memref_slice %arg2[%dma_wait3A, %dma_wait3A_38] : memref<10000x16xf32, #tpu.memory_space<hbm>> -> memref<10000x16xf32, #tpu.memory_space<hbm>>
      tpu.wait_indirect_dma semaphore(%arg12 : memref<!tpu.dma_semaphore, #tpu.memory_space<semaphore_mem>>) src(%dma_wait3A_39 : memref<10000x16xf32, #tpu.memory_space<hbm>>) dst(%arg9 : memref<128x16xf32, #tpu.memory_space<vmem>>)
      %scan3A_40 = arith.constant 0 : i32
      %scan3A_41 = arith.constant 0 : i32
      %scan3A_42 = arith.constant 8 : i32
      %scan3A_43 = arith.addi %scan3A_41, %scan3A_42 : i32
      %scan3A_44 = arith.constant 1 : i32
      scf.for %scan3A_46 = %scan3A_41 to %scan3A_43 step %scan3A_44  : i32 {
        %mul3A_47 = arith.constant 16 : i32
        %mul3A_48 = arith.muli %scan3A_46, %mul3A_47 : i32
        %multiple_of3A_49 = tpu.assume_multiple %mul3A_48, 16 : i32
        %get3A = arith.index_cast %multiple_of3A_49 : i32 to index
        %get3A_50 = tpu.vector_load %arg8[%get3A] {strides = array<i32>} : memref<128xf32, #tpu.memory_space<vmem>>, vector<16xf32>,
        %get3A_51 = vector.shape_cast %get3A_50 : vector<16xf32> to vector<16xf32>
        %add3A_52 = arith.constant 0 : i32
        %add3A_53 = arith.addi %multiple_of3A_49, %add3A_52 : i32
        %get3A_54 = arith.index_cast %add3A_53 : i32 to index
        %get3A_55 = arith.constant 0 : index
        %get3A_56 = tpu.vector_load %arg9[%get3A_54, %get3A_55] {strides = array<i32>} : memref<128x16xf32, #tpu.memory_space<vmem>>, vector<1x16xf32>,
        %get3A_57 = vector.shape_cast %get3A_56 : vector<1x16xf32> to vector<16xf32>
        %slice3A = vector.extract_strided_slice %get3A_51 {offsets = [0], sizes = [1], strides = [1]} : vector<16xf32> to vector<1xf32>
        %squeeze3A = vector.extract %slice3A[0] : f32 from vector<1xf32>
        %mul3A_58 = vector.broadcast %squeeze3A : f32 to vector<16xf32>
        %mul3A_59 = arith.mulf %get3A_57, %mul3A_58 : vector<16xf32>
        %add3A_60 = arith.constant 0 : i32
        %add3A_61 = arith.addi %multiple_of3A_49, %add3A_60 : i32
        %swap3A = arith.index_cast %add3A_61 : i32 to index
        %swap3A_62 = arith.constant 0 : index
        %swap3A_63 = tpu.vector_load %arg9[%swap3A, %swap3A_62] {strides = array<i32>} : memref<128x16xf32, #tpu.memory_space<vmem>>, vector<1x16xf32>,
        %swap3A_64 = vector.shape_cast %swap3A_63 : vector<1x16xf32> to vector<16xf32>
        %swap3A_65 = vector.shape_cast %mul3A_59 : vector<16xf32> to vector<1x16xf32>
        tpu.vector_store %arg9[%swap3A, %swap3A_62], %swap3A_65 {strides = array<i32>} : memref<128x16xf32, #tpu.memory_space<vmem>>, vector<1x16xf32>,
        %add3A_66 = arith.constant 1 : i32
        %add3A_67 = arith.addi %multiple_of3A_49, %add3A_66 : i32
        %get3A_68 = arith.index_cast %add3A_67 : i32 to index
        %get3A_69 = arith.constant 0 : index
        %get3A_70 = tpu.vector_load %arg9[%get3A_68, %get3A_69] {strides = array<i32>} : memref<128x16xf32, #tpu.memory_space<vmem>>, vector<1x16xf32>,
        %get3A_71 = vector.shape_cast %get3A_70 : vector<1x16xf32> to vector<16xf32>
        %slice3A_72 = vector.extract_strided_slice %get3A_51 {offsets = [1], sizes = [1], strides = [1]} : vector<16xf32> to vector<1xf32>
        %squeeze3A_73 = vector.extract %slice3A_72[0] : f32 from vector<1xf32>
        %mul3A_74 = vector.broadcast %squeeze3A_73 : f32 to vector<16xf32>
        %mul3A_75 = arith.mulf %get3A_71, %mul3A_74 : vector<16xf32>
        %add3A_76 = arith.constant 1 : i32
        %add3A_77 = arith.addi %multiple_of3A_49, %add3A_76 : i32
        %swap3A_78 = arith.index_cast %add3A_77 : i32 to index
        %swap3A_79 = arith.constant 0 : index
        %swap3A_80 = tpu.vector_load %arg9[%swap3A_78, %swap3A_79] {strides = array<i32>} : memref<128x16xf32, #tpu.memory_space<vmem>>, vector<1x16xf32>,
        %swap3A_81 = vector.shape_cast %swap3A_80 : vector<1x16xf32> to vector<16xf32>
        %swap3A_82 = vector.shape_cast %mul3A_75 : vector<16xf32> to vector<1x16xf32>
        tpu.vector_store %arg9[%swap3A_78, %swap3A_79], %swap3A_82 {strides = array<i32>} : memref<128x16xf32, #tpu.memory_space<vmem>>, vector<1x16xf32>,
        %add3A_83 = arith.constant 2 : i32
        %add3A_84 = arith.addi %multiple_of3A_49, %add3A_83 : i32
        %get3A_85 = arith.index_cast %add3A_84 : i32 to index
        %get3A_86 = arith.constant 0 : index
        %get3A_87 = tpu.vector_load %arg9[%get3A_85, %get3A_86] {strides = array<i32>} : memref<128x16xf32, #tpu.memory_space<vmem>>, vector<1x16xf32>,
        %get3A_88 = vector.shape_cast %get3A_87 : vector<1x16xf32> to vector<16xf32>
        %slice3A_89 = vector.extract_strided_slice %get3A_51 {offsets = [2], sizes = [1], strides = [1]} : vector<16xf32> to vector<1xf32>
        %squeeze3A_90 = vector.extract %slice3A_89[0] : f32 from vector<1xf32>
        %mul3A_91 = vector.broadcast %squeeze3A_90 : f32 to vector<16xf32>
        %mul3A_92 = arith.mulf %get3A_88, %mul3A_91 : vector<16xf32>
        %add3A_93 = arith.constant 2 : i32
        %add3A_94 = arith.addi %multiple_of3A_49, %add3A_93 : i32
        %swap3A_95 = arith.index_cast %add3A_94 : i32 to index
        %swap3A_96 = arith.constant 0 : index
        %swap3A_97 = tpu.vector_load %arg9[%swap3A_95, %swap3A_96] {strides = array<i32>} : memref<128x16xf32, #tpu.memory_space<vmem>>, vector<1x16xf32>,
        %swap3A_98 = vector.shape_cast %swap3A_97 : vector<1x16xf32> to vector<16xf32>
        %swap3A_99 = vector.shape_cast %mul3A_92 : vector<16xf32> to vector<1x16xf32>
        tpu.vector_store %arg9[%swap3A_95, %swap3A_96], %swap3A_99 {strides = array<i32>} : memref<128x16xf32, #tpu.memory_space<vmem>>, vector<1x16xf32>,
        %add3A_100 = arith.constant 3 : i32
        %add3A_101 = arith.addi %multiple_of3A_49, %add3A_100 : i32
        %get3A_102 = arith.index_cast %add3A_101 : i32 to index
        %get3A_103 = arith.constant 0 : index
        %get3A_104 = tpu.vector_load %arg9[%get3A_102, %get3A_103] {strides = array<i32>} : memref<128x16xf32, #tpu.memory_space<vmem>>, vector<1x16xf32>,
        %get3A_105 = vector.shape_cast %get3A_104 : vector<1x16xf32> to vector<16xf32>
        %slice3A_106 = vector.extract_strided_slice %get3A_51 {offsets = [3], sizes = [1], strides = [1]} : vector<16xf32> to vector<1xf32>
        %squeeze3A_107 = vector.extract %slice3A_106[0] : f32 from vector<1xf32>
        %mul3A_108 = vector.broadcast %squeeze3A_107 : f32 to vector<16xf32>
        %mul3A_109 = arith.mulf %get3A_105, %mul3A_108 : vector<16xf32>
        %add3A_110 = arith.constant 3 : i32
        %add3A_111 = arith.addi %multiple_of3A_49, %add3A_110 : i32
        %swap3A_112 = arith.index_cast %add3A_111 : i32 to index
        %swap3A_113 = arith.constant 0 : index
        %swap3A_114 = tpu.vector_load %arg9[%swap3A_112, %swap3A_113] {strides = array<i32>} : memref<128x16xf32, #tpu.memory_space<vmem>>, vector<1x16xf32>,
        %swap3A_115 = vector.shape_cast %swap3A_114 : vector<1x16xf32> to vector<16xf32>
        %swap3A_116 = vector.shape_cast %mul3A_109 : vector<16xf32> to vector<1x16xf32>
        tpu.vector_store %arg9[%swap3A_112, %swap3A_113], %swap3A_116 {strides = array<i32>} : memref<128x16xf32, #tpu.memory_space<vmem>>, vector<1x16xf32>,
        %add3A_117 = arith.constant 4 : i32
        %add3A_118 = arith.addi %multiple_of3A_49, %add3A_117 : i32
        %get3A_119 = arith.index_cast %add3A_118 : i32 to index
        %get3A_120 = arith.constant 0 : index
        %get3A_121 = tpu.vector_load %arg9[%get3A_119, %get3A_120] {strides = array<i32>} : memref<128x16xf32, #tpu.memory_space<vmem>>, vector<1x16xf32>,
        %get3A_122 = vector.shape_cast %get3A_121 : vector<1x16xf32> to vector<16xf32>
        %slice3A_123 = vector.extract_strided_slice %get3A_51 {offsets = [4], sizes = [1], strides = [1]} : vector<16xf32> to vector<1xf32>
        %squeeze3A_124 = vector.extract %slice3A_123[0] : f32 from vector<1xf32>
        %mul3A_125 = vector.broadcast %squeeze3A_124 : f32 to vector<16xf32>
        %mul3A_126 = arith.mulf %get3A_122, %mul3A_125 : vector<16xf32>
        %add3A_127 = arith.constant 4 : i32
        %add3A_128 = arith.addi %multiple_of3A_49, %add3A_127 : i32
        %swap3A_129 = arith.index_cast %add3A_128 : i32 to index
        %swap3A_130 = arith.constant 0 : index
        %swap3A_131 = tpu.vector_load %arg9[%swap3A_129, %swap3A_130] {strides = array<i32>} : memref<128x16xf32, #tpu.memory_space<vmem>>, vector<1x16xf32>,
        %swap3A_132 = vector.shape_cast %swap3A_131 : vector<1x16xf32> to vector<16xf32>
        %swap3A_133 = vector.shape_cast %mul3A_126 : vector<16xf32> to vector<1x16xf32>
        tpu.vector_store %arg9[%swap3A_129, %swap3A_130], %swap3A_133 {strides = array<i32>} : memref<128x16xf32, #tpu.memory_space<vmem>>, vector<1x16xf32>,
        %add3A_134 = arith.constant 5 : i32
        %add3A_135 = arith.addi %multiple_of3A_49, %add3A_134 : i32
        %get3A_136 = arith.index_cast %add3A_135 : i32 to index
        %get3A_137 = arith.constant 0 : index
        %get3A_138 = tpu.vector_load %arg9[%get3A_136, %get3A_137] {strides = array<i32>} : memref<128x16xf32, #tpu.memory_space<vmem>>, vector<1x16xf32>,
        %get3A_139 = vector.shape_cast %get3A_138 : vector<1x16xf32> to vector<16xf32>
        %slice3A_140 = vector.extract_strided_slice %get3A_51 {offsets = [5], sizes = [1], strides = [1]} : vector<16xf32> to vector<1xf32>
        %squeeze3A_141 = vector.extract %slice3A_140[0] : f32 from vector<1xf32>
        %mul3A_142 = vector.broadcast %squeeze3A_141 : f32 to vector<16xf32>
        %mul3A_143 = arith.mulf %get3A_139, %mul3A_142 : vector<16xf32>
        %add3A_144 = arith.constant 5 : i32
        %add3A_145 = arith.addi %multiple_of3A_49, %add3A_144 : i32
        %swap3A_146 = arith.index_cast %add3A_145 : i32 to index
        %swap3A_147 = arith.constant 0 : index
        %swap3A_148 = tpu.vector_load %arg9[%swap3A_146, %swap3A_147] {strides = array<i32>} : memref<128x16xf32, #tpu.memory_space<vmem>>, vector<1x16xf32>,
        %swap3A_149 = vector.shape_cast %swap3A_148 : vector<1x16xf32> to vector<16xf32>
        %swap3A_150 = vector.shape_cast %mul3A_143 : vector<16xf32> to vector<1x16xf32>
        tpu.vector_store %arg9[%swap3A_146, %swap3A_147], %swap3A_150 {strides = array<i32>} : memref<128x16xf32, #tpu.memory_space<vmem>>, vector<1x16xf32>,
        %add3A_151 = arith.constant 6 : i32
        %add3A_152 = arith.addi %multiple_of3A_49, %add3A_151 : i32
        %get3A_153 = arith.index_cast %add3A_152 : i32 to index
        %get3A_154 = arith.constant 0 : index
        %get3A_155 = tpu.vector_load %arg9[%get3A_153, %get3A_154] {strides = array<i32>} : memref<128x16xf32, #tpu.memory_space<vmem>>, vector<1x16xf32>,
        %get3A_156 = vector.shape_cast %get3A_155 : vector<1x16xf32> to vector<16xf32>
        %slice3A_157 = vector.extract_strided_slice %get3A_51 {offsets = [6], sizes = [1], strides = [1]} : vector<16xf32> to vector<1xf32>
        %squeeze3A_158 = vector.extract %slice3A_157[0] : f32 from vector<1xf32>
        %mul3A_159 = vector.broadcast %squeeze3A_158 : f32 to vector<16xf32>
        %mul3A_160 = arith.mulf %get3A_156, %mul3A_159 : vector<16xf32>
        %add3A_161 = arith.constant 6 : i32
        %add3A_162 = arith.addi %multiple_of3A_49, %add3A_161 : i32
        %swap3A_163 = arith.index_cast %add3A_162 : i32 to index
        %swap3A_164 = arith.constant 0 : index
        %swap3A_165 = tpu.vector_load %arg9[%swap3A_163, %swap3A_164] {strides = array<i32>} : memref<128x16xf32, #tpu.memory_space<vmem>>, vector<1x16xf32>,
        %swap3A_166 = vector.shape_cast %swap3A_165 : vector<1x16xf32> to vector<16xf32>
        %swap3A_167 = vector.shape_cast %mul3A_160 : vector<16xf32> to vector<1x16xf32>
        tpu.vector_store %arg9[%swap3A_163, %swap3A_164], %swap3A_167 {strides = array<i32>} : memref<128x16xf32, #tpu.memory_space<vmem>>, vector<1x16xf32>,
        %add3A_168 = arith.constant 7 : i32
        %add3A_169 = arith.addi %multiple_of3A_49, %add3A_168 : i32
        %get3A_170 = arith.index_cast %add3A_169 : i32 to index
        %get3A_171 = arith.constant 0 : index
        %get3A_172 = tpu.vector_load %arg9[%get3A_170, %get3A_171] {strides = array<i32>} : memref<128x16xf32, #tpu.memory_space<vmem>>, vector<1x16xf32>,
        %get3A_173 = vector.shape_cast %get3A_172 : vector<1x16xf32> to vector<16xf32>
        %slice3A_174 = vector.extract_strided_slice %get3A_51 {offsets = [7], sizes = [1], strides = [1]} : vector<16xf32> to vector<1xf32>
        %squeeze3A_175 = vector.extract %slice3A_174[0] : f32 from vector<1xf32>
        %mul3A_176 = vector.broadcast %squeeze3A_175 : f32 to vector<16xf32>
        %mul3A_177 = arith.mulf %get3A_173, %mul3A_176 : vector<16xf32>
        %add3A_178 = arith.constant 7 : i32
        %add3A_179 = arith.addi %multiple_of3A_49, %add3A_178 : i32
        %swap3A_180 = arith.index_cast %add3A_179 : i32 to index
        %swap3A_181 = arith.constant 0 : index
        %swap3A_182 = tpu.vector_load %arg9[%swap3A_180, %swap3A_181] {strides = array<i32>} : memref<128x16xf32, #tpu.memory_space<vmem>>, vector<1x16xf32>,
        %swap3A_183 = vector.shape_cast %swap3A_182 : vector<1x16xf32> to vector<16xf32>
        %swap3A_184 = vector.shape_cast %mul3A_177 : vector<16xf32> to vector<1x16xf32>
        tpu.vector_store %arg9[%swap3A_180, %swap3A_181], %swap3A_184 {strides = array<i32>} : memref<128x16xf32, #tpu.memory_space<vmem>>, vector<1x16xf32>,
        %add3A_185 = arith.constant 8 : i32
        %add3A_186 = arith.addi %multiple_of3A_49, %add3A_185 : i32
        %get3A_187 = arith.index_cast %add3A_186 : i32 to index
        %get3A_188 = arith.constant 0 : index
        %get3A_189 = tpu.vector_load %arg9[%get3A_187, %get3A_188] {strides = array<i32>} : memref<128x16xf32, #tpu.memory_space<vmem>>, vector<1x16xf32>,
        %get3A_190 = vector.shape_cast %get3A_189 : vector<1x16xf32> to vector<16xf32>
        %slice3A_191 = vector.extract_strided_slice %get3A_51 {offsets = [8], sizes = [1], strides = [1]} : vector<16xf32> to vector<1xf32>
        %squeeze3A_192 = vector.extract %slice3A_191[0] : f32 from vector<1xf32>
        %mul3A_193 = vector.broadcast %squeeze3A_192 : f32 to vector<16xf32>
        %mul3A_194 = arith.mulf %get3A_190, %mul3A_193 : vector<16xf32>
        %add3A_195 = arith.constant 8 : i32
        %add3A_196 = arith.addi %multiple_of3A_49, %add3A_195 : i32
        %swap3A_197 = arith.index_cast %add3A_196 : i32 to index
        %swap3A_198 = arith.constant 0 : index
        %swap3A_199 = tpu.vector_load %arg9[%swap3A_197, %swap3A_198] {strides = array<i32>} : memref<128x16xf32, #tpu.memory_space<vmem>>, vector<1x16xf32>,
        %swap3A_200 = vector.shape_cast %swap3A_199 : vector<1x16xf32> to vector<16xf32>
        %swap3A_201 = vector.shape_cast %mul3A_194 : vector<16xf32> to vector<1x16xf32>
        tpu.vector_store %arg9[%swap3A_197, %swap3A_198], %swap3A_201 {strides = array<i32>} : memref<128x16xf32, #tpu.memory_space<vmem>>, vector<1x16xf32>,
        %add3A_202 = arith.constant 9 : i32
        %add3A_203 = arith.addi %multiple_of3A_49, %add3A_202 : i32
        %get3A_204 = arith.index_cast %add3A_203 : i32 to index
        %get3A_205 = arith.constant 0 : index
        %get3A_206 = tpu.vector_load %arg9[%get3A_204, %get3A_205] {strides = array<i32>} : memref<128x16xf32, #tpu.memory_space<vmem>>, vector<1x16xf32>,
        %get3A_207 = vector.shape_cast %get3A_206 : vector<1x16xf32> to vector<16xf32>
        %slice3A_208 = vector.extract_strided_slice %get3A_51 {offsets = [9], sizes = [1], strides = [1]} : vector<16xf32> to vector<1xf32>
        %squeeze3A_209 = vector.extract %slice3A_208[0] : f32 from vector<1xf32>
        %mul3A_210 = vector.broadcast %squeeze3A_209 : f32 to vector<16xf32>
        %mul3A_211 = arith.mulf %get3A_207, %mul3A_210 : vector<16xf32>
        %add3A_212 = arith.constant 9 : i32
        %add3A_213 = arith.addi %multiple_of3A_49, %add3A_212 : i32
        %swap3A_214 = arith.index_cast %add3A_213 : i32 to index
        %swap3A_215 = arith.constant 0 : index
        %swap3A_216 = tpu.vector_load %arg9[%swap3A_214, %swap3A_215] {strides = array<i32>} : memref<128x16xf32, #tpu.memory_space<vmem>>, vector<1x16xf32>,
        %swap3A_217 = vector.shape_cast %swap3A_216 : vector<1x16xf32> to vector<16xf32>
        %swap3A_218 = vector.shape_cast %mul3A_211 : vector<16xf32> to vector<1x16xf32>
        tpu.vector_store %arg9[%swap3A_214, %swap3A_215], %swap3A_218 {strides = array<i32>} : memref<128x16xf32, #tpu.memory_space<vmem>>, vector<1x16xf32>,
        %add3A_219 = arith.constant 10 : i32
        %add3A_220 = arith.addi %multiple_of3A_49, %add3A_219 : i32
        %get3A_221 = arith.index_cast %add3A_220 : i32 to index
        %get3A_222 = arith.constant 0 : index
        %get3A_223 = tpu.vector_load %arg9[%get3A_221, %get3A_222] {strides = array<i32>} : memref<128x16xf32, #tpu.memory_space<vmem>>, vector<1x16xf32>,
        %get3A_224 = vector.shape_cast %get3A_223 : vector<1x16xf32> to vector<16xf32>
        %slice3A_225 = vector.extract_strided_slice %get3A_51 {offsets = [10], sizes = [1], strides = [1]} : vector<16xf32> to vector<1xf32>
        %squeeze3A_226 = vector.extract %slice3A_225[0] : f32 from vector<1xf32>
        %mul3A_227 = vector.broadcast %squeeze3A_226 : f32 to vector<16xf32>
        %mul3A_228 = arith.mulf %get3A_224, %mul3A_227 : vector<16xf32>
        %add3A_229 = arith.constant 10 : i32
        %add3A_230 = arith.addi %multiple_of3A_49, %add3A_229 : i32
        %swap3A_231 = arith.index_cast %add3A_230 : i32 to index
        %swap3A_232 = arith.constant 0 : index
        %swap3A_233 = tpu.vector_load %arg9[%swap3A_231, %swap3A_232] {strides = array<i32>} : memref<128x16xf32, #tpu.memory_space<vmem>>, vector<1x16xf32>,
        %swap3A_234 = vector.shape_cast %swap3A_233 : vector<1x16xf32> to vector<16xf32>
        %swap3A_235 = vector.shape_cast %mul3A_228 : vector<16xf32> to vector<1x16xf32>
        tpu.vector_store %arg9[%swap3A_231, %swap3A_232], %swap3A_235 {strides = array<i32>} : memref<128x16xf32, #tpu.memory_space<vmem>>, vector<1x16xf32>,
        %add3A_236 = arith.constant 11 : i32
        %add3A_237 = arith.addi %multiple_of3A_49, %add3A_236 : i32
        %get3A_238 = arith.index_cast %add3A_237 : i32 to index
        %get3A_239 = arith.constant 0 : index
        %get3A_240 = tpu.vector_load %arg9[%get3A_238, %get3A_239] {strides = array<i32>} : memref<128x16xf32, #tpu.memory_space<vmem>>, vector<1x16xf32>,
        %get3A_241 = vector.shape_cast %get3A_240 : vector<1x16xf32> to vector<16xf32>
        %slice3A_242 = vector.extract_strided_slice %get3A_51 {offsets = [11], sizes = [1], strides = [1]} : vector<16xf32> to vector<1xf32>
        %squeeze3A_243 = vector.extract %slice3A_242[0] : f32 from vector<1xf32>
        %mul3A_244 = vector.broadcast %squeeze3A_243 : f32 to vector<16xf32>
        %mul3A_245 = arith.mulf %get3A_241, %mul3A_244 : vector<16xf32>
        %add3A_246 = arith.constant 11 : i32
        %add3A_247 = arith.addi %multiple_of3A_49, %add3A_246 : i32
        %swap3A_248 = arith.index_cast %add3A_247 : i32 to index
        %swap3A_249 = arith.constant 0 : index
        %swap3A_250 = tpu.vector_load %arg9[%swap3A_248, %swap3A_249] {strides = array<i32>} : memref<128x16xf32, #tpu.memory_space<vmem>>, vector<1x16xf32>,
        %swap3A_251 = vector.shape_cast %swap3A_250 : vector<1x16xf32> to vector<16xf32>
        %swap3A_252 = vector.shape_cast %mul3A_245 : vector<16xf32> to vector<1x16xf32>
        tpu.vector_store %arg9[%swap3A_248, %swap3A_249], %swap3A_252 {strides = array<i32>} : memref<128x16xf32, #tpu.memory_space<vmem>>, vector<1x16xf32>,
        %add3A_253 = arith.constant 12 : i32
        %add3A_254 = arith.addi %multiple_of3A_49, %add3A_253 : i32
        %get3A_255 = arith.index_cast %add3A_254 : i32 to index
        %get3A_256 = arith.constant 0 : index
        %get3A_257 = tpu.vector_load %arg9[%get3A_255, %get3A_256] {strides = array<i32>} : memref<128x16xf32, #tpu.memory_space<vmem>>, vector<1x16xf32>,
        %get3A_258 = vector.shape_cast %get3A_257 : vector<1x16xf32> to vector<16xf32>
        %slice3A_259 = vector.extract_strided_slice %get3A_51 {offsets = [12], sizes = [1], strides = [1]} : vector<16xf32> to vector<1xf32>
        %squeeze3A_260 = vector.extract %slice3A_259[0] : f32 from vector<1xf32>
        %mul3A_261 = vector.broadcast %squeeze3A_260 : f32 to vector<16xf32>
        %mul3A_262 = arith.mulf %get3A_258, %mul3A_261 : vector<16xf32>
        %add3A_263 = arith.constant 12 : i32
        %add3A_264 = arith.addi %multiple_of3A_49, %add3A_263 : i32
        %swap3A_265 = arith.index_cast %add3A_264 : i32 to index
        %swap3A_266 = arith.constant 0 : index
        %swap3A_267 = tpu.vector_load %arg9[%swap3A_265, %swap3A_266] {strides = array<i32>} : memref<128x16xf32, #tpu.memory_space<vmem>>, vector<1x16xf32>,
        %swap3A_268 = vector.shape_cast %swap3A_267 : vector<1x16xf32> to vector<16xf32>
        %swap3A_269 = vector.shape_cast %mul3A_262 : vector<16xf32> to vector<1x16xf32>
        tpu.vector_store %arg9[%swap3A_265, %swap3A_266], %swap3A_269 {strides = array<i32>} : memref<128x16xf32, #tpu.memory_space<vmem>>, vector<1x16xf32>,
        %add3A_270 = arith.constant 13 : i32
        %add3A_271 = arith.addi %multiple_of3A_49, %add3A_270 : i32
        %get3A_272 = arith.index_cast %add3A_271 : i32 to index
        %get3A_273 = arith.constant 0 : index
        %get3A_274 = tpu.vector_load %arg9[%get3A_272, %get3A_273] {strides = array<i32>} : memref<128x16xf32, #tpu.memory_space<vmem>>, vector<1x16xf32>,
        %get3A_275 = vector.shape_cast %get3A_274 : vector<1x16xf32> to vector<16xf32>
        %slice3A_276 = vector.extract_strided_slice %get3A_51 {offsets = [13], sizes = [1], strides = [1]} : vector<16xf32> to vector<1xf32>
        %squeeze3A_277 = vector.extract %slice3A_276[0] : f32 from vector<1xf32>
        %mul3A_278 = vector.broadcast %squeeze3A_277 : f32 to vector<16xf32>
        %mul3A_279 = arith.mulf %get3A_275, %mul3A_278 : vector<16xf32>
        %add3A_280 = arith.constant 13 : i32
        %add3A_281 = arith.addi %multiple_of3A_49, %add3A_280 : i32
        %swap3A_282 = arith.index_cast %add3A_281 : i32 to index
        %swap3A_283 = arith.constant 0 : index
        %swap3A_284 = tpu.vector_load %arg9[%swap3A_282, %swap3A_283] {strides = array<i32>} : memref<128x16xf32, #tpu.memory_space<vmem>>, vector<1x16xf32>,
        %swap3A_285 = vector.shape_cast %swap3A_284 : vector<1x16xf32> to vector<16xf32>
        %swap3A_286 = vector.shape_cast %mul3A_279 : vector<16xf32> to vector<1x16xf32>
        tpu.vector_store %arg9[%swap3A_282, %swap3A_283], %swap3A_286 {strides = array<i32>} : memref<128x16xf32, #tpu.memory_space<vmem>>, vector<1x16xf32>,
        %add3A_287 = arith.constant 14 : i32
        %add3A_288 = arith.addi %multiple_of3A_49, %add3A_287 : i32
        %get3A_289 = arith.index_cast %add3A_288 : i32 to index
        %get3A_290 = arith.constant 0 : index
        %get3A_291 = tpu.vector_load %arg9[%get3A_289, %get3A_290] {strides = array<i32>} : memref<128x16xf32, #tpu.memory_space<vmem>>, vector<1x16xf32>,
        %get3A_292 = vector.shape_cast %get3A_291 : vector<1x16xf32> to vector<16xf32>
        %slice3A_293 = vector.extract_strided_slice %get3A_51 {offsets = [14], sizes = [1], strides = [1]} : vector<16xf32> to vector<1xf32>
        %squeeze3A_294 = vector.extract %slice3A_293[0] : f32 from vector<1xf32>
        %mul3A_295 = vector.broadcast %squeeze3A_294 : f32 to vector<16xf32>
        %mul3A_296 = arith.mulf %get3A_292, %mul3A_295 : vector<16xf32>
        %add3A_297 = arith.constant 14 : i32
        %add3A_298 = arith.addi %multiple_of3A_49, %add3A_297 : i32
        %swap3A_299 = arith.index_cast %add3A_298 : i32 to index
        %swap3A_300 = arith.constant 0 : index
        %swap3A_301 = tpu.vector_load %arg9[%swap3A_299, %swap3A_300] {strides = array<i32>} : memref<128x16xf32, #tpu.memory_space<vmem>>, vector<1x16xf32>,
        %swap3A_302 = vector.shape_cast %swap3A_301 : vector<1x16xf32> to vector<16xf32>
        %swap3A_303 = vector.shape_cast %mul3A_296 : vector<16xf32> to vector<1x16xf32>
        tpu.vector_store %arg9[%swap3A_299, %swap3A_300], %swap3A_303 {strides = array<i32>} : memref<128x16xf32, #tpu.memory_space<vmem>>, vector<1x16xf32>,
        %add3A_304 = arith.constant 15 : i32
        %add3A_305 = arith.addi %multiple_of3A_49, %add3A_304 : i32
        %get3A_306 = arith.index_cast %add3A_305 : i32 to index
        %get3A_307 = arith.constant 0 : index
        %get3A_308 = tpu.vector_load %arg9[%get3A_306, %get3A_307] {strides = array<i32>} : memref<128x16xf32, #tpu.memory_space<vmem>>, vector<1x16xf32>,
        %get3A_309 = vector.shape_cast %get3A_308 : vector<1x16xf32> to vector<16xf32>
        %slice3A_310 = vector.extract_strided_slice %get3A_51 {offsets = [15], sizes = [1], strides = [1]} : vector<16xf32> to vector<1xf32>
        %squeeze3A_311 = vector.extract %slice3A_310[0] : f32 from vector<1xf32>
        %mul3A_312 = vector.broadcast %squeeze3A_311 : f32 to vector<16xf32>
        %mul3A_313 = arith.mulf %get3A_309, %mul3A_312 : vector<16xf32>
        %add3A_314 = arith.constant 15 : i32
        %add3A_315 = arith.addi %multiple_of3A_49, %add3A_314 : i32
        %swap3A_316 = arith.index_cast %add3A_315 : i32 to index
        %swap3A_317 = arith.constant 0 : index
        %swap3A_318 = tpu.vector_load %arg9[%swap3A_316, %swap3A_317] {strides = array<i32>} : memref<128x16xf32, #tpu.memory_space<vmem>>, vector<1x16xf32>,
        %swap3A_319 = vector.shape_cast %swap3A_318 : vector<1x16xf32> to vector<16xf32>
        %swap3A_320 = vector.shape_cast %mul3A_313 : vector<16xf32> to vector<1x16xf32>
        tpu.vector_store %arg9[%swap3A_316, %swap3A_317], %swap3A_320 {strides = array<i32>} : memref<128x16xf32, #tpu.memory_space<vmem>>, vector<1x16xf32>,
      }
      %scan3A_45 = arith.constant 8 : i32
      "tpu.region"() ({
        %run_scoped3A_46 = tpu.sem_alloc : memref<!tpu.dma_semaphore, #tpu.memory_space<semaphore_mem>>
        %dma_start3A_47 = arith.constant 0 : i32
        %dma_start3A_48 = arith.constant 0 : i32
        %dma_start3A_49 = tpu.memref_slice %arg11[%dma_start3A_47, %dma_start3A_48] : memref<10112x16xf32, #tpu.memory_space<vmem_shared>> -> memref<10112x16xf32, #tpu.memory_space<vmem_shared>>
        tpu.enqueue_indirect_dma source(%arg9 : memref<128x16xf32, #tpu.memory_space<vmem>>) target(%dma_start3A_49 : memref<10112x16xf32, #tpu.memory_space<vmem_shared>>) offsets(%arg6 : memref<128xi32, #tpu.memory_space<vmem>>) semaphore(%run_scoped3A_46 : memref<!tpu.dma_semaphore, #tpu.memory_space<semaphore_mem>>) {add = true}
        %dma_wait3A_50 = arith.constant 0 : i32
        %dma_wait3A_51 = arith.constant 0 : i32
        %dma_wait3A_52 = tpu.memref_slice %arg11[%dma_wait3A_50, %dma_wait3A_51] : memref<10112x16xf32, #tpu.memory_space<vmem_shared>> -> memref<10112x16xf32, #tpu.memory_space<vmem_shared>>
        tpu.wait_indirect_dma semaphore(%run_scoped3A_46 : memref<!tpu.dma_semaphore, #tpu.memory_space<semaphore_mem>>) src(%arg9 : memref<128x16xf32, #tpu.memory_space<vmem>>) dst(%dma_wait3A_52 : memref<10112x16xf32, #tpu.memory_space<vmem_shared>>)
        tpu.yield
      }) : () -> ()
    }
    %barrier3A_26 = arith.constant 0 : index
    tpu.barrier barrier_id(%barrier3A_26)
    %mul3A_27 = arith.constant 632 : i32
    %mul3A_28 = arith.muli %arg1, %mul3A_27 : i32
    %mul3A_29 = arith.constant 632 : i32
    %mul3A_30 = arith.muli %arg1, %mul3A_29 : i32
    "tpu.region"() ({
      %run_scoped3A = tpu.sem_alloc : memref<!tpu.dma_semaphore, #tpu.memory_space<semaphore_mem>>
      %dma_start3A = arith.constant 0 : i32
      %dma_start3A_31 = tpu.memref_slice %arg5[%arg0, %mul3A_30, %dma_start3A] : memref<2x10112x16xf32, #tpu.memory_space<hbm>> -> memref<1x632x16xf32, #tpu.memory_space<hbm>>
      %dma_start3A_32 = tpu.memref_squeeze %dma_start3A_31 : memref<1x632x16xf32, #tpu.memory_space<hbm>> -> memref<632x16xf32, #tpu.memory_space<hbm>>
      %dma_start3A_33 = arith.constant 0 : i32
      %dma_start3A_34 = tpu.memref_slice %arg11[%mul3A_28, %dma_start3A_33] : memref<10112x16xf32, #tpu.memory_space<vmem_shared>> -> memref<632x16xf32, #tpu.memory_space<vmem_shared>>
      tpu.enqueue_dma source(%dma_start3A_34 : memref<632x16xf32, #tpu.memory_space<vmem_shared>>) target(%dma_start3A_32 : memref<632x16xf32, #tpu.memory_space<hbm>>) target_semaphore(%run_scoped3A : memref<!tpu.dma_semaphore, #tpu.memory_space<semaphore_mem>>)
      %dma_wait3A = arith.constant 0 : i32
      %dma_wait3A_35 = tpu.memref_slice %arg5[%arg0, %mul3A_30, %dma_wait3A] : memref<2x10112x16xf32, #tpu.memory_space<hbm>> -> memref<1x632x16xf32, #tpu.memory_space<hbm>>
      %dma_wait3A_36 = tpu.memref_squeeze %dma_wait3A_35 : memref<1x632x16xf32, #tpu.memory_space<hbm>> -> memref<632x16xf32, #tpu.memory_space<hbm>>
      %dma_wait3A_37 = arith.constant 0 : i32
      %dma_wait3A_38 = tpu.memref_slice %arg11[%mul3A_28, %dma_wait3A_37] : memref<10112x16xf32, #tpu.memory_space<vmem_shared>> -> memref<632x16xf32, #tpu.memory_space<vmem_shared>>
      tpu.wait_dma2 semaphore(%run_scoped3A : memref<!tpu.dma_semaphore, #tpu.memory_space<semaphore_mem>>) src(%dma_wait3A_38 : memref<632x16xf32, #tpu.memory_space<vmem_shared>>) dst(%dma_wait3A_36 : memref<632x16xf32, #tpu.memory_space<hbm>>)
      tpu.yield
    }) : () -> ()
    return
  }
}

module attributes {stable_mosaic.version = 14 : i64} {
  func.func @_mm_body(%arg0: i32, %arg1: memref<2000x128xf32, #tpu.memory_space<vmem>>, %arg2: memref<128x16xf32, #tpu.memory_space<vmem>>, %arg3: memref<2000x16xf32, #tpu.memory_space<vmem>>) attributes {dimension_semantics = [#tpu.dimension_semantics<arbitrary>], iteration_bounds = array<i64: 5>, scalar_prefetch = 0 : i64, scratch_operands = 0 : i64, tpu.core_type = #tpu.core_type<tc>, window_params = [{transform_indices = @transform_0, window_bounds = array<i64: 2000, 128>}, {pipeline_mode = #tpu.pipeline_mode<synchronous>, transform_indices = @transform_1, window_bounds = array<i64: 128, 16>}, {transform_indices = @transform_2, window_bounds = array<i64: 2000, 16>}]} {
    %get3A = arith.constant 0 : index
    %get3A_0 = arith.constant 0 : index
    %get3A_1 = vector.load %arg1[%get3A, %get3A_0] : memref<2000x128xf32, #tpu.memory_space<vmem>>, vector<2000x128xf32>
    %get3A_2 = arith.constant 0 : index
    %get3A_3 = arith.constant 0 : index
    %get3A_4 = vector.load %arg2[%get3A_2, %get3A_3] : memref<128x16xf32, #tpu.memory_space<vmem>>, vector<128x16xf32>
    %dot_general3A = arith.constant dense<0.000000e+00> : vector<2000x16xf32>
    %dot_general3A_5 = tpu.matmul %get3A_1, %get3A_4, %dot_general3A {dimension_numbers = #tpu.dot_dimension_numbers<[1], [0], [0], [1], [0, 0, 1, 1], [], []>, transpose_lhs_hint = false} : vector<2000x128xf32>, vector<128x16xf32>, vector<2000x16xf32> -> vector<2000x16xf32>
    %swap3A = arith.constant 0 : index
    %swap3A_6 = arith.constant 0 : index
    %swap3A_7 = vector.load %arg3[%swap3A, %swap3A_6] : memref<2000x16xf32, #tpu.memory_space<vmem>>, vector<2000x16xf32>
    tpu.vector_store %arg3[%swap3A, %swap3A_6], %dot_general3A_5 {strides = array<i32>} : memref<2000x16xf32, #tpu.memory_space<vmem>>, vector<2000x16xf32>,
    return
  }
  func.func @transform_0(%arg0: i32) -> (i32, i32) {
    %c0_i32 = arith.constant 0 : i32
    %c0_i32_0 = arith.constant 0 : i32
    return %arg0, %c0_i32 : i32, i32
  }
  func.func @transform_1(%arg0: i32) -> (i32, i32) {
    %c0_i32 = arith.constant 0 : i32
    %c0_i32_0 = arith.constant 0 : i32
    %c0_i32_1 = arith.constant 0 : i32
    return %c0_i32, %c0_i32_0 : i32, i32
  }
  func.func @transform_2(%arg0: i32) -> (i32, i32) {
    %c0_i32 = arith.constant 0 : i32
    %c0_i32_0 = arith.constant 0 : i32
    return %arg0, %c0_i32 : i32, i32
  }
}

module attributes {stable_mosaic.version = 14 : i64} {
  func.func @_layer2_body(%arg0: i32, %arg1: memref<2x2000x16xf32, #tpu.memory_space<vmem>>, %arg2: memref<1x16xf32, #tpu.memory_space<vmem>>, %arg3: memref<16x16xf32, #tpu.memory_space<vmem>>, %arg4: memref<2000x16xf32, #tpu.memory_space<vmem>>) attributes {dimension_semantics = [#tpu.dimension_semantics<arbitrary>], iteration_bounds = array<i64: 5>, scalar_prefetch = 0 : i64, scratch_operands = 0 : i64, tpu.core_type = #tpu.core_type<tc>, window_params = [{transform_indices = @transform_0, window_bounds = array<i64: 2, 2000, 16>}, {pipeline_mode = #tpu.pipeline_mode<synchronous>, transform_indices = @transform_1, window_bounds = array<i64: 1, 16>}, {pipeline_mode = #tpu.pipeline_mode<synchronous>, transform_indices = @transform_2, window_bounds = array<i64: 16, 16>}, {transform_indices = @transform_3, window_bounds = array<i64: 2000, 16>}]} {
    %get3A = arith.constant 0 : index
    %get3A_0 = arith.constant 0 : index
    %get3A_1 = arith.constant 0 : index
    %get3A_2 = vector.load %arg1[%get3A, %get3A_0, %get3A_1] : memref<2x2000x16xf32, #tpu.memory_space<vmem>>, vector<1x2000x16xf32>
    %get3A_3 = vector.shape_cast %get3A_2 : vector<1x2000x16xf32> to vector<2000x16xf32>
    %get3A_4 = arith.constant 1 : index
    %get3A_5 = arith.constant 0 : index
    %get3A_6 = arith.constant 0 : index
    %get3A_7 = vector.load %arg1[%get3A_4, %get3A_5, %get3A_6] : memref<2x2000x16xf32, #tpu.memory_space<vmem>>, vector<1x2000x16xf32>
    %get3A_8 = vector.shape_cast %get3A_7 : vector<1x2000x16xf32> to vector<2000x16xf32>
    %add3A = arith.addf %get3A_3, %get3A_8 : vector<2000x16xf32>
    %get3A_9 = arith.constant 0 : index
    %get3A_10 = arith.constant 0 : index
    %get3A_11 = vector.load %arg2[%get3A_9, %get3A_10] : memref<1x16xf32, #tpu.memory_space<vmem>>, vector<1x16xf32>
    %get3A_12 = vector.shape_cast %get3A_11 : vector<1x16xf32> to vector<16xf32>
    %broadcast_in_dim3A = vector.shape_cast %get3A_12 : vector<16xf32> to vector<1x16xf32>
    %add3A_13 = vector.broadcast %broadcast_in_dim3A : vector<1x16xf32> to vector<2000x16xf32>
    %add3A_14 = arith.addf %add3A, %add3A_13 : vector<2000x16xf32>
    %max3A = arith.constant 0.000000e+00 : f32
    %max3A_15 = vector.broadcast %max3A : f32 to vector<2000x16xf32>
    %max3A_16 = arith.maximumf %add3A_14, %max3A_15 : vector<2000x16xf32>
    %get3A_17 = arith.constant 0 : index
    %get3A_18 = arith.constant 0 : index
    %get3A_19 = vector.load %arg3[%get3A_17, %get3A_18] : memref<16x16xf32, #tpu.memory_space<vmem>>, vector<16x16xf32>
    %dot_general3A = arith.constant dense<0.000000e+00> : vector<2000x16xf32>
    %dot_general3A_20 = tpu.matmul %max3A_16, %get3A_19, %dot_general3A {dimension_numbers = #tpu.dot_dimension_numbers<[1], [0], [0], [1], [0, 0, 1, 1], [], []>, transpose_lhs_hint = false} : vector<2000x16xf32>, vector<16x16xf32>, vector<2000x16xf32> -> vector<2000x16xf32>
    %swap3A = arith.constant 0 : index
    %swap3A_21 = arith.constant 0 : index
    %swap3A_22 = vector.load %arg4[%swap3A, %swap3A_21] : memref<2000x16xf32, #tpu.memory_space<vmem>>, vector<2000x16xf32>
    tpu.vector_store %arg4[%swap3A, %swap3A_21], %dot_general3A_20 {strides = array<i32>} : memref<2000x16xf32, #tpu.memory_space<vmem>>, vector<2000x16xf32>,
    return
  }
  func.func @transform_0(%arg0: i32) -> (i32, i32, i32) {
    %c0_i32 = arith.constant 0 : i32
    %c0_i32_0 = arith.constant 0 : i32
    %c0_i32_1 = arith.constant 0 : i32
    return %c0_i32, %arg0, %c0_i32_0 : i32, i32, i32
  }
  func.func @transform_1(%arg0: i32) -> (i32, i32) {
    %c0_i32 = arith.constant 0 : i32
    %c0_i32_0 = arith.constant 0 : i32
    %c0_i32_1 = arith.constant 0 : i32
    return %c0_i32, %c0_i32_0 : i32, i32
  }
  func.func @transform_2(%arg0: i32) -> (i32, i32) {
    %c0_i32 = arith.constant 0 : i32
    %c0_i32_0 = arith.constant 0 : i32
    %c0_i32_1 = arith.constant 0 : i32
    return %c0_i32, %c0_i32_0 : i32, i32
  }
  func.func @transform_3(%arg0: i32) -> (i32, i32) {
    %c0_i32 = arith.constant 0 : i32
    %c0_i32_0 = arith.constant 0 : i32
    return %arg0, %c0_i32 : i32, i32
  }
}

module attributes {stable_mosaic.version = 14 : i64} {
  func.func @_head_body(%arg0: i32, %arg1: memref<2x2000x16xf32, #tpu.memory_space<vmem>>, %arg2: memref<1x16xf32, #tpu.memory_space<vmem>>, %arg3: memref<16x16xf32, #tpu.memory_space<vmem>>, %arg4: memref<1x16xf32, #tpu.memory_space<vmem>>, %arg5: memref<16x16xf32, #tpu.memory_space<vmem>>, %arg6: memref<1x16xf32, #tpu.memory_space<vmem>>, %arg7: memref<2000x30xf32, #tpu.memory_space<vmem>>) attributes {dimension_semantics = [#tpu.dimension_semantics<arbitrary>], iteration_bounds = array<i64: 5>, scalar_prefetch = 0 : i64, scratch_operands = 0 : i64, tpu.core_type = #tpu.core_type<tc>, window_params = [{transform_indices = @transform_0, window_bounds = array<i64: 2, 2000, 16>}, {pipeline_mode = #tpu.pipeline_mode<synchronous>, transform_indices = @transform_1, window_bounds = array<i64: 1, 16>}, {pipeline_mode = #tpu.pipeline_mode<synchronous>, transform_indices = @transform_2, window_bounds = array<i64: 16, 16>}, {pipeline_mode = #tpu.pipeline_mode<synchronous>, transform_indices = @transform_3, window_bounds = array<i64: 1, 16>}, {pipeline_mode = #tpu.pipeline_mode<synchronous>, transform_indices = @transform_4, window_bounds = array<i64: 16, 16>}, {pipeline_mode = #tpu.pipeline_mode<synchronous>, transform_indices = @transform_5, window_bounds = array<i64: 1, 16>}, {transform_indices = @transform_6, window_bounds = array<i64: 2000, 30>}]} {
    %get3A = arith.constant 0 : index
    %get3A_0 = arith.constant 0 : index
    %get3A_1 = arith.constant 0 : index
    %get3A_2 = vector.load %arg1[%get3A, %get3A_0, %get3A_1] : memref<2x2000x16xf32, #tpu.memory_space<vmem>>, vector<1x2000x16xf32>
    %get3A_3 = vector.shape_cast %get3A_2 : vector<1x2000x16xf32> to vector<2000x16xf32>
    %get3A_4 = arith.constant 1 : index
    %get3A_5 = arith.constant 0 : index
    %get3A_6 = arith.constant 0 : index
    %get3A_7 = vector.load %arg1[%get3A_4, %get3A_5, %get3A_6] : memref<2x2000x16xf32, #tpu.memory_space<vmem>>, vector<1x2000x16xf32>
    %get3A_8 = vector.shape_cast %get3A_7 : vector<1x2000x16xf32> to vector<2000x16xf32>
    %add3A = arith.addf %get3A_3, %get3A_8 : vector<2000x16xf32>
    %get3A_9 = arith.constant 0 : index
    %get3A_10 = arith.constant 0 : index
    %get3A_11 = vector.load %arg2[%get3A_9, %get3A_10] : memref<1x16xf32, #tpu.memory_space<vmem>>, vector<1x16xf32>
    %get3A_12 = vector.shape_cast %get3A_11 : vector<1x16xf32> to vector<16xf32>
    %broadcast_in_dim3A = vector.shape_cast %get3A_12 : vector<16xf32> to vector<1x16xf32>
    %add3A_13 = vector.broadcast %broadcast_in_dim3A : vector<1x16xf32> to vector<2000x16xf32>
    %add3A_14 = arith.addf %add3A, %add3A_13 : vector<2000x16xf32>
    %max3A = arith.constant 0.000000e+00 : f32
    %max3A_15 = vector.broadcast %max3A : f32 to vector<2000x16xf32>
    %max3A_16 = arith.maximumf %add3A_14, %max3A_15 : vector<2000x16xf32>
    %get3A_17 = arith.constant 0 : index
    %get3A_18 = arith.constant 0 : index
    %get3A_19 = vector.load %arg3[%get3A_17, %get3A_18] : memref<16x16xf32, #tpu.memory_space<vmem>>, vector<16x16xf32>
    %dot_general3A = arith.constant dense<0.000000e+00> : vector<2000x16xf32>
    %dot_general3A_20 = tpu.matmul %max3A_16, %get3A_19, %dot_general3A {dimension_numbers = #tpu.dot_dimension_numbers<[1], [0], [0], [1], [0, 0, 1, 1], [], []>, transpose_lhs_hint = false} : vector<2000x16xf32>, vector<16x16xf32>, vector<2000x16xf32> -> vector<2000x16xf32>
    %get3A_21 = arith.constant 0 : index
    %get3A_22 = arith.constant 0 : index
    %get3A_23 = vector.load %arg4[%get3A_21, %get3A_22] : memref<1x16xf32, #tpu.memory_space<vmem>>, vector<1x16xf32>
    %get3A_24 = vector.shape_cast %get3A_23 : vector<1x16xf32> to vector<16xf32>
    %broadcast_in_dim3A_25 = vector.shape_cast %get3A_24 : vector<16xf32> to vector<1x16xf32>
    %add3A_26 = vector.broadcast %broadcast_in_dim3A_25 : vector<1x16xf32> to vector<2000x16xf32>
    %add3A_27 = arith.addf %dot_general3A_20, %add3A_26 : vector<2000x16xf32>
    %tanh3A = math.tanh %add3A_27 : vector<2000x16xf32>
    %get3A_28 = arith.constant 0 : index
    %get3A_29 = arith.constant 0 : index
    %get3A_30 = vector.load %arg5[%get3A_28, %get3A_29] : memref<16x16xf32, #tpu.memory_space<vmem>>, vector<16x16xf32>
    %dot_general3A_31 = arith.constant dense<0.000000e+00> : vector<2000x16xf32>
    %dot_general3A_32 = tpu.matmul %max3A_16, %get3A_30, %dot_general3A_31 {dimension_numbers = #tpu.dot_dimension_numbers<[1], [0], [0], [1], [0, 0, 1, 1], [], []>, transpose_lhs_hint = false} : vector<2000x16xf32>, vector<16x16xf32>, vector<2000x16xf32> -> vector<2000x16xf32>
    %get3A_33 = arith.constant 0 : index
    %get3A_34 = arith.constant 0 : index
    %get3A_35 = vector.load %arg6[%get3A_33, %get3A_34] : memref<1x16xf32, #tpu.memory_space<vmem>>, vector<1x16xf32>
    %get3A_36 = vector.shape_cast %get3A_35 : vector<1x16xf32> to vector<16xf32>
    %broadcast_in_dim3A_37 = vector.shape_cast %get3A_36 : vector<16xf32> to vector<1x16xf32>
    %add3A_38 = vector.broadcast %broadcast_in_dim3A_37 : vector<1x16xf32> to vector<2000x16xf32>
    %add3A_39 = arith.addf %dot_general3A_32, %add3A_38 : vector<2000x16xf32>
    %tanh3A_40 = math.tanh %add3A_39 : vector<2000x16xf32>
    %iota3A = tpu.iota {dimensions = array<i32: 1>} : vector<2000x16xi32>
    %lt3A = arith.constant 7 : i32
    %lt3A_41 = vector.broadcast %lt3A : i32 to vector<2000x16xi32>
    %lt3A_42 = arith.cmpi slt, %iota3A, %lt3A_41 : vector<2000x16xi32>
    %add3A_43 = arith.constant 0.541324854 : f32
    %add3A_44 = vector.broadcast %add3A_43 : f32 to vector<2000x16xf32>
    %add3A_45 = arith.addf %tanh3A, %add3A_44 : vector<2000x16xf32>
    %custom_jvp_call3A = arith.constant 0.000000e+00 : f32
    %max3A_46 = vector.broadcast %custom_jvp_call3A : f32 to vector<2000x16xf32>
    %max3A_47 = arith.maximumf %add3A_45, %max3A_46 : vector<2000x16xf32>
    %sub3A = vector.broadcast %custom_jvp_call3A : f32 to vector<2000x16xf32>
    %sub3A_48 = arith.subf %add3A_45, %sub3A : vector<2000x16xf32>
    %ne3A = arith.cmpf one, %sub3A_48, %sub3A_48 : vector<2000x16xf32>
    %add3A_49 = vector.broadcast %custom_jvp_call3A : f32 to vector<2000x16xf32>
    %add3A_50 = arith.addf %add3A_45, %add3A_49 : vector<2000x16xf32>
    %abs3A = math.absf %sub3A_48 : vector<2000x16xf32>
    %neg3A = arith.constant 0.000000e+00 : f32
    %neg3A_51 = vector.broadcast %neg3A : f32 to vector<2000x16xf32>
    %neg3A_52 = arith.subf %neg3A_51, %abs3A : vector<2000x16xf32>
    %exp3A = math.exp %neg3A_52 : vector<2000x16xf32>
    %log1p3A = math.log1p %exp3A : vector<2000x16xf32>
    %add3A_53 = arith.addf %max3A_47, %log1p3A : vector<2000x16xf32>
    %select_n3A = arith.select %ne3A, %add3A_50, %add3A_53 : vector<2000x16xi1>, vector<2000x16xf32>
    %select_n3A_54 = arith.select %lt3A_42, %tanh3A, %select_n3A : vector<2000x16xi1>, vector<2000x16xf32>
    %slice3A = vector.extract_strided_slice %select_n3A_54 {offsets = [0, 0], sizes = [2000, 14], strides = [1, 1]} : vector<2000x16xf32> to vector<2000x14xf32>
    %concatenate3A = tpu.concatenate %slice3A, %tanh3A_40 in 1 : vector<2000x14xf32>, vector<2000x16xf32> -> vector<2000x30xf32>
    %swap3A = arith.constant 0 : index
    %swap3A_55 = arith.constant 0 : index
    %swap3A_56 = vector.load %arg7[%swap3A, %swap3A_55] : memref<2000x30xf32, #tpu.memory_space<vmem>>, vector<2000x30xf32>
    tpu.vector_store %arg7[%swap3A, %swap3A_55], %concatenate3A {strides = array<i32>} : memref<2000x30xf32, #tpu.memory_space<vmem>>, vector<2000x30xf32>,
    return
  }
  func.func @transform_0(%arg0: i32) -> (i32, i32, i32) {
    %c0_i32 = arith.constant 0 : i32
    %c0_i32_0 = arith.constant 0 : i32
    %c0_i32_1 = arith.constant 0 : i32
    return %c0_i32, %arg0, %c0_i32_0 : i32, i32, i32
  }
  func.func @transform_1(%arg0: i32) -> (i32, i32) {
    %c0_i32 = arith.constant 0 : i32
    %c0_i32_0 = arith.constant 0 : i32
    %c0_i32_1 = arith.constant 0 : i32
    return %c0_i32, %c0_i32_0 : i32, i32
  }
  func.func @transform_2(%arg0: i32) -> (i32, i32) {
    %c0_i32 = arith.constant 0 : i32
    %c0_i32_0 = arith.constant 0 : i32
    %c0_i32_1 = arith.constant 0 : i32
    return %c0_i32, %c0_i32_0 : i32, i32
  }
  func.func @transform_3(%arg0: i32) -> (i32, i32) {
    %c0_i32 = arith.constant 0 : i32
    %c0_i32_0 = arith.constant 0 : i32
    %c0_i32_1 = arith.constant 0 : i32
    return %c0_i32, %c0_i32_0 : i32, i32
  }
  func.func @transform_4(%arg0: i32) -> (i32, i32) {
    %c0_i32 = arith.constant 0 : i32
    %c0_i32_0 = arith.constant 0 : i32
    %c0_i32_1 = arith.constant 0 : i32
    return %c0_i32, %c0_i32_0 : i32, i32
  }
  func.func @transform_5(%arg0: i32) -> (i32, i32) {
    %c0_i32 = arith.constant 0 : i32
    %c0_i32_0 = arith.constant 0 : i32
    %c0_i32_1 = arith.constant 0 : i32
    return %c0_i32, %c0_i32_0 : i32, i32
  }
  func.func @transform_6(%arg0: i32) -> (i32, i32) {
    %c0_i32 = arith.constant 0 : i32
    %c0_i32_0 = arith.constant 0 : i32
    return %arg0, %c0_i32 : i32, i32
  }
}

</mosaic_0001>

<sc_bundles>
// kernel: kernel.10.cloned.1.call-start
scs
__scs_entry_jumppad:
0x0: {  	(pc) =	sbr.rel $0x88, $3  }
0x1: {  	(tag) =	ssettag $0x0;
	lr =	simm.s32 $0x1  }
0x2: {  	[smem:$0x3F96] =	sst lr;
	_ =	strace $0xD0000000  }
0x3: {  	_ = 	snop  }
0x4: {  	_ = 	snop  }
0x5: {  	_ = 	snop  }
0x6: {  	_ = 	snop  }
0x7: {  	_ = 	snop  }
__scs_overlays_trampoline_lowered:
0x8: {  	[smem:$0x3FA5] =	sst s0  }
0x9: {  	[smem:$0x3FA6] =	sst s1  }
0xa: {  	[smem:$0x3FA7] =	sst s2  }
0xb: {  	[smem:$0x3FA8] =	sst s3  }
0xc: {  	[smem:$0x3FA9] =	sst s4  }
0xd: {  	[smem:$0x3FAA] =	sst s5  }
0xe: {  	[smem:$0x3FAB] =	sst s6  }
0xf: {  	[smem:$0x3FAC] =	sst s7  }
0x10: {  	[smem:$0x3FAD] =	sst s8  }
0x11: {  	[smem:$0x3FAE] =	sst s9;
	s0 =	simm.s32 @!p0 $0x0  }
0x12: {  	s1 =	sld [smem:$0x3F94];
	s0 =	simm.s32 @p0 $0x1  }
0x13: {  	[smem:$0x3FAF] =	sst s0;
	s0 =	simm.s32 @!p1 $0x0  }
0x14: {  	s2 =	sld [smem:$0x3F93];
	s0 =	simm.s32 @p1 $0x1  }
0x15: {  	[smem:$0x3FB0] =	sst s0;
	s0 =	simm.s32 @!p2 $0x0  }
0x16: {  	s3 =	sld [smem:$0x3FDB];
	s0 =	simm.s32 @p2 $0x1  }
0x17: {  	s4 =	simm.s32 $0x1BF5;
	[smem:$0x3FB2] =	sst s0  }
0x18: {  	s0 =	sld [smem:$0x3F95];
	_ =	swait.ge [sflag:s4], $0x0  }
0x19: {  	s7 =	sld [smem:$0x3F96]  }
0x1a: {  	s8 =	sadd.s32 $0xFFFFE003, lr  }
0x1b: {  	s9 =	sadd.s32 $0xFFFFFEF7, lr;
	s5 =	simm.s32 $0xFFFFFFFF;
	p2 =	slt.u32 s8, $0xFFFFF086  }
0x1c: {  	p1 =	slt.u32 s9, $0xF7A;
	s5 =	simm.s32 @!p2 $0x0  }
0x1d: {  	s5 =	simm.s32 @p1 $0x1;
	p0 =	seq.s32 s7, s2  }
0x1e: {  	s7 =	smul.u32 @!p0 $0xF7A, s2;
	p2 =	seq.s32 @!p0 s5, $0x0  }
0x1f: {  	s9 =	smul.u32 $0xF7A, s1;
	s8 =	simm.s32 @!p0 $0x1BF5;
	p2 =	por !p2, p0  }
0x20: {  	[sflag:s8] =	ssyncset.s32 @!p0 $0xFFFFF086;
	s6 =	sadd.s32 @!p0 s3, s7;
	s7 =	simm.s32 @!p0 $0x108  }
0x21: {  	s3 =	sadd.s32 s3, s9;
	s6 =	sadd.s32 @!p0 $0x88, s6;
	s7 =	simm.s32 @p2 $0x1082  }
0x22: {  	[simem:s7], [sflag:s8] =	dma.local @!p0 [hbm:s6], $0xF7A  }
0x23: {  	s9 =	sor.u32 $0xD0000000, s2;
	s6 =	simm.s32 $0x108;
	_ =	swait.ge @!p0 [sflag:s8], $0x0  }
0x24: {  	s3 =	sadd.s32 $0x88, s3;
	s6 =	simm.s32 @!p1 $0x1082;
	[sflag:s4] =	ssyncset.s32 $0xFFFFF086  }
0x25: {  	[simem:s6], [sflag:s4] =	dma.local [hbm:s3], $0xF7A  }
0x26: {  	[smem:$0x3F96] =	sst s1;
	(tag) =	ssettag s2;
	_ =	strace s9  }
0x27: {  	s1 =	sld [smem:$0x3FA6]  }
0x28: {  	s2 =	sld [smem:$0x3FA7]  }
0x29: {  	s4 =	sld [smem:$0x3FA9]  }
0x2a: {  	p0 =	seq.s32 s5, $0x0;
	s5 =	sld [smem:$0x3FAA]  }
0x2b: {  	s6 =	sld [smem:$0x3FAB]  }
0x2c: {  	s7 =	sld [smem:$0x3FAC]  }
0x2d: {  	s3 =	simm.s32 $0x108;
	s8 =	sld [smem:$0x3FAD]  }
0x2e: {  	s3 =	simm.s32 @!p0 $0x1082;
	s9 =	sld [smem:$0x3FAE]  }
0x2f: {  	lr =	sadd.s32 s0, s3;
	s0 =	sld [smem:$0x3FA5]  }
0x30: {  	s3 =	sld [smem:$0x3FA8]  }
0x31: {  	[smem:$0x3FB1] =	sst s10  }
0x32: {  	s10 =	sld [smem:$0x3FAF];
	_ =	sdelay $0x3  }
0x33: {  	p0 =	seq.s32 s10, $0x1;
	s10 =	sld [smem:$0x3FB1];
	_ =	sdelay $0x3  }
0x34: {  	[smem:$0x3FB1] =	sst s10  }
0x35: {  	s10 =	sld [smem:$0x3FB0];
	_ =	sdelay $0x3  }
0x36: {  	p1 =	seq.s32 s10, $0x1;
	s10 =	sld [smem:$0x3FB1];
	_ =	sdelay $0x3  }
0x37: {  	[smem:$0x3FB1] =	sst s10  }
0x38: {  	s10 =	sld [smem:$0x3FB2]  }
0x39: {  	_ = 	snop;
	(pc) =	sbr.ind lr, $3  }
0x3a: {  	_ = 	snop  }
0x3b: {  	_ = 	snop  }
0x3c: {  	p2 =	seq.s32 s10, $0x1;
	s10 =	sld [smem:$0x3FB1]  }
0x3d: {  	_ =	shalt  }
0x3e: {  	_ =	shalt  }
0x3f: {  	_ =	shalt  }
0x40: {  	_ =	shalt  }
0x41: {  	_ =	shalt  }
0x42: {  	_ =	shalt  }
0x43: {  	_ =	shalt  }
0x44: {  	_ =	shalt  }
0x45: {  	_ =	shalt  }
0x46: {  	_ =	shalt  }
0x47: {  	_ =	shalt  }
0x48: {  	_ =	shalt  }
0x49: {  	_ =	shalt  }
0x4a: {  	_ =	shalt  }
0x4b: {  	_ =	shalt  }
0x4c: {  	_ =	shalt  }
0x4d: {  	_ =	shalt  }
0x4e: {  	_ =	shalt  }
0x4f: {  	_ =	shalt  }
0x50: {  	_ =	shalt  }
0x51: {  	_ =	shalt  }
0x52: {  	_ =	shalt  }
0x53: {  	_ =	shalt  }
0x54: {  	_ =	shalt  }
0x55: {  	_ =	shalt  }
0x56: {  	_ =	shalt  }
0x57: {  	_ =	shalt  }
0x58: {  	_ =	shalt  }
0x59: {  	_ =	shalt  }
0x5a: {  	_ =	shalt  }
0x5b: {  	_ =	shalt  }
0x5c: {  	_ =	shalt  }
0x5d: {  	_ =	shalt  }
0x5e: {  	_ =	shalt  }
0x5f: {  	_ =	shalt  }
0x60: {  	_ =	shalt  }
0x61: {  	_ =	shalt  }
0x62: {  	_ =	shalt  }
0x63: {  	_ =	shalt  }
0x64: {  	_ =	shalt  }
0x65: {  	_ =	shalt  }
0x66: {  	_ =	shalt  }
0x67: {  	_ =	shalt  }
0x68: {  	_ =	shalt  }
0x69: {  	_ =	shalt  }
0x6a: {  	_ =	shalt  }
0x6b: {  	_ =	shalt  }
0x6c: {  	_ =	shalt  }
0x6d: {  	_ =	shalt  }
0x6e: {  	_ =	shalt  }
0x6f: {  	_ =	shalt  }
0x70: {  	_ =	shalt  }
0x71: {  	_ =	shalt  }
0x72: {  	_ =	shalt  }
0x73: {  	_ =	shalt  }
0x74: {  	_ =	shalt  }
0x75: {  	_ =	shalt  }
0x76: {  	_ =	shalt  }
0x77: {  	_ =	shalt  }
0x78: {  	_ =	shalt  }
0x79: {  	_ =	shalt  }
0x7a: {  	_ =	shalt  }
0x7b: {  	_ =	shalt  }
0x7c: {  	_ =	shalt  }
0x7d: {  	_ =	shalt  }
0x7e: {  	_ =	shalt  }
0x7f: {  	_ =	shalt  }
0x80: {  	_ =	shalt  }
0x81: {  	_ =	shalt  }
0x82: {  	_ =	shalt  }
0x83: {  	_ =	shalt  }
0x84: {  	_ =	shalt  }
0x85: {  	_ =	shalt  }
0x86: {  	_ =	shalt  }
0x87: {  	_ =	shalt  }
.Lfunc_end0:
.L_simem_size_0:
called_computation.1_lowered:
.L_overlay_start_0:
0x88: {  	s2 =	sld [smem:$0x3FD9]  }
0x89: {  	s3 =	sld [smem:$0x3FFE];
	_ =	sdelay $0x1  }
0x8a: {  	s1 =	srdreg.scid  }
0x8b: {  	s0 =	sand.u32 $0x1, s1  }
0x8c: {  	s17 =	sshll.u32 s0, $0xA;
	s2 =	sadd.s32 s3, s2  }
0x8d: {  	s2 =	sadd.s32 s2, s17  }
0x8e: {  	[smem:$0x3FBD] =	sst s2  }
0x8f: {  	_ = 	snop  }
0x90: {  	s2 =	sld [smem:$0x3FC7]  }
0x91: {  	s18 =	sld [smem:$0x3FD0];
	(tm) =	ssettm $0x1  }
0x92: {  	s4 =	sld [smem:$0x3FFB];
	_ =	sdelay $0x3  }
0x93: {  	_ =	strace s4  }
0x94: {  	s4 =	sld [smem:$0x3FFC];
	_ =	sdelay $0x3  }
0x95: {  	_ =	strace s4  }
0x96: {  	s4 =	sld [smem:$0x3FFD];
	_ =	sdelay $0x3  }
0x97: {  	_ =	strace s4  }
0x98: {  	_ =	strace $0x8FFFFFFF  }
0x99: {  	s19 =	sld [smem:$0x3FDB];
	_ =	sdelay $0x1  }
0x9a: {  	s5 =	simm.s32 $_scs_section_size  }
0x9b: {  	s6 =	simm.s32 $_size__tile_overlayer_lowered;
	s7 =	simm.s32 $_tile_overlayer_lowered  }
0x9c: {  	s22 =	simm.s32 $0x1BFF;
	s21 =	sshll.u32 s7, $0x1;
	s4 =	sadd.s32 s5, s19  }
0x9d: {  	s8 =	simm.s32 $0x0;
	s20 =	sshll.u32 s6, $0x1;
	s6 =	sadd.s32 s21, s4  }
0x9e: {  	[timem:s8], [sflag:s22] =	dma.local [hbm:s6], s20  }
0x9f: {  	_ =	swait.ge [sflag:s22], s20  }
0xa0: {  	s5 =	ssub.s32 $0x0, s20;
	[sflag:s22] =	ssyncset.done $0x0  }
0xa1: {  	[sflag:s22] =	ssyncadd.s32 s5;
	_ =	sdelay $0x1  }
0xa2: {  	s23 =	simm.s32 $0x1B8B  }
0xa3: {  	_ =	swait.ge [sflag:s23], $0x1  }
0xa4: {  	[sflag:s23] =	ssyncset.done $0x0  }
0xa5: {  	s25 =	simm.s32 $0x1B8E;
	s24 =	sld [smem:$0x3FFE];
	[sflag:s23] =	ssyncadd.s32 $0xFFFFFFFF  }
0xa6: {  	s26 =	simm.s32 $execute0_lowered;
	[smem:$0x3FD2] =	sst s25  }
0xa7: {  	s6 =	sshll.u32 s26, $0x1;
	_ =	strace $0x80000049;
	[dreg:$0x1] =	wrdreg $0xFFFFFFFF  }
0xa8: {  	s28 =	simm.s32 $_size_execute0_lowered;
	s4 =	sadd.s32 s4, s6;
	[dreg:$0x0] =	wrdreg $0x0  }
0xa9: {  	s6 =	sshll.u32 s28, $0x1;
	[dreg:$0x2] =	wrdreg s4  }
0xaa: {  	[dreg:$0x3] =	wrdreg s6  }
0xab: {  	[dreg:$0x4] =	wrdreg $0xC0  }
0xac: {  	_ =	task [dreg:s8], $0x5FFFF  }
0xad: {  	[dreg:$0x1] =	wrdreg $0xFFFFFFFF  }
0xae: {  	[dreg:$0x0] =	wrdreg $0x60  }
0xaf: {  	[dreg:$0x2] =	wrdreg s24  }
0xb0: {  	[dreg:$0x3] =	wrdreg s2  }
0xb1: {  	[dreg:$0x4] =	wrdreg s18  }
0xb2: {  	[dreg:$0x5] =	wrdreg $0x31000  }
0xb3: {  	[dreg:$0x6] =	wrdreg $0x9  }
0xb4: {  	_ =	task.clear_ibuf [dreg:s8], $0x7FFFF;
	_ =	strace $0x90000049  }
0xb5: {  	s29 =	simm.s32 $0x9;
	_ =	strace $0x8000004B  }
0xb6: {  	_ =	swait.ge [sflag:s29], $0x1  }
0xb7: {  	[sflag:s29] =	ssyncadd.s32 $0xFFFFFFFF  }
0xb8: {  	_ =	strace $0x9000004B  }
0xb9: {  	_ =	sfence  }
0xba: {  	s30 =	sld [smem:$0x0];
	_ =	sdelay $0x2  }
0xbb: {  	s31 =	sshll.u32 s1, $0xD;
	s1 =	sshrl.u32 s1, $0x2  }
0xbc: {  	s3 =	sand.u32 $0x4000, s31;
	s1 =	sadd.s32 s1, s30  }
0xbd: {  	s0 =	sor.u32 s3, s0;
	s1 =	sshll.u32 s1, $0x11  }
0xbe: {  	s0 =	sor.u32 s1, s0  }
0xbf: {  	s0 =	sadd.s32 $0x8F2B, s0  }
0xc0: {  	[sflag:s0] =	ssyncadd.remote.s32 $0x1  }
0xc1: {  	_ =	sfence.sel $0xFFFF  }
0xc2: {  	[dreg:$0x0] =	wrdreg $0xFFFFFFFF;
	(pc) =	sbr.abs _section_cstart, $3  }
0xc3: {  	[dreg:$0x1] =	wrdreg $0xFFFFFFFF  }
0xc4: {  	_ =	task.clear_ibuf [dreg:s8], $0x2FFFF;
	_ =	strace $0x9FFFFFFF  }
0xc5: {  	(tm) =	ssettm $0x7FFFFFFF  }
tec
execute0_lowered:
.L_overlay_start_1:
0x0: {  	(tag) =	ssettag $0x1  }
0x1: {  	s6 =	rddreg [dreg:$0x0]  }
0x2: {  	s1 =	rddreg [dreg:$0x1]  }
0x3: {  	s10 =	rddreg [dreg:$0x2]  }
0x4: {  	s2 =	rddreg [dreg:$0x3]  }
0x5: {  	s3 =	srdreg.scid;
	s0 =	rddreg [dreg:$0x4];
	s4 =	simm.s32 $0x0  }
0x6: {  	s15 =	simm.s32 $0x100;
	s16 =	simm.s32 $0x180;
	s17 =	simm.s32 $0x1  }
0x7: {  	s19 =	simm.s32 $0x0;
	s7 =	sand.u32 $0x1, s3;
	s3 =	stileid.u32  }
0x8: {  	[smem:$0x7FF] =	sst s4;
	s5 =	sshll.u32 s7, $0x4;
	s11 =	smul.u32 $0x2780, s3  }
0x9: {  	_ =	strace $0x8000004A;
	s8 =	ssub.s32 $0x2, s7;
	s14 =	smul.u32 $0x27800, s7  }
0xa: {  	s18 =	sshll.u32 s3, $0x6;
	s9 =	sor.u32 s3, s5;
	s5 =	sadd.s32 $0x15600, s6  }
0xb: {  	s13 =	sshrl.u32 s8, $0x1;
	s6 =	sadd.s32 $0x1C00, s6;
	s18 =	sor.u32 $0x1C02, s18  }
0xc: {  	s12 =	smul.u32 $0x4E, s9;
	s13 =	ssub.s32 s8, s13;
	s31 =	smin.u32 s9, $0x4  }
0xd: {  	s7 =	sadd.s32 s11, s2;
	s11 =	sadd.s32 s11, s14;
	p0 =	slt.u32 s9, $0x4  }
0xe: {  	s9 =	simm.s32 $0x4F;
	s14 =	simm.s32 $0x80;
	s11 =	sshrl.u32 s11, $0x3  }
0xf: {  	s9 =	simm.s32 @!p0 $0x4E;
	s8 =	sadd.s32 s31, s12;
	s10 =	sadd.s32 s10, s11  }
0x10: {  	v0 =	vimm.f32 $0.0e+00;
	s11 =	smax.u32 s13, $0x1;
	s12 =	simm.s32 $0x980;
	s13 =	simm.s32 $0x2  }
.LBB2_1:
0x11: {  	s20 =	simm.s32 $0x40;
	s21 =	simm.s32 $0x0  }
.LBB2_2:
0x12: {  	p0 =	sne.s32 s20, $0x9DC0;
	[tilespmem:s21+$0x980] =	vst v0;
	s21 =	smov.u32 s20;
	s20 =	sadd.s32 $0x40, s20  }
.Ltmp0:
0x13: {  	(pc) =	sbr.rel @p0 .LBB2_2-.Ltmp0, $2  }
0x14: {  	_ =	sdelay $0x2  }
0x15: {  	s21 =	sshra.s32 s21, $0x2  }
0x16: {  	[tilespmem:s21+$0x980] =	vst v0  }
0x17: {  	[spmem:s7] =	stream.linear.scatter [tilespmem:s12], [sflag:$0x2], $0x2780, $0x38;
	[tilespmem:$0x5880] =	vst v63  }
0x18: {  	_ =	swait.ge [sflag:s13], $0x2780  }
0x19: {  	[sflag:s13] =	ssyncset.done $0x0  }
0x1a: {  	[sflag:s13] =	ssyncadd.s32 $0xFFFFD880  }
0x1b: {  	s20 =	simm.s32 $0x0;
	s21 =	simm.s32 $0x0;
	[bflag:$0x0] =	sbarrier.arrive $0xFFFF  }
.LBB2_4:
0x1c: {  	s22 =	sadd.s32 s21, s8  }
0x1d: {  	s22 =	sshll.u32 s22, $0x4  }
0x1e: {  	s22 =	sand.u32 $0x1FFFFFF0, s22  }
0x1f: {  	s23 =	sadd.s32 s6, s22  }
0x20: {  	[tilespmem:s20], [sflag:$0x2] =	stream.linear.gather [hbm4b:s23+s20], $0x80, $0x38;
	[tilespmem:$0x5880] =	vst v63  }
0x21: {  	_ =	swait.ge [sflag:s13], $0x80  }
0x22: {  	[sflag:s13] =	ssyncset.done $0x0  }
0x23: {  	s23 =	sadd.s32 $0x9C40, s23;
	[sflag:s13] =	ssyncadd.s32 $0xFFFFFF80  }
0x24: {  	[tilespmem:s14], [sflag:$0x2] =	stream.linear.gather [hbm4b:s23+s20], $0x80, $0x38;
	[tilespmem:$0x5880] =	vst v63  }
0x25: {  	_ =	swait.ge [sflag:s13], $0x80  }
0x26: {  	[sflag:s13] =	ssyncset.done $0x0  }
0x27: {  	s22 =	sadd.s32 s1, s22;
	[sflag:s13] =	ssyncadd.s32 $0xFFFFFF80  }
0x28: {  	[tilespmem:s15], [sflag:$0x2] =	stream.linear.gather [hbm4b:s22+s20], $0x80, $0x38;
	[tilespmem:$0x5880] =	vst v63  }
0x29: {  	_ =	swait.ge [sflag:s13], $0x80  }
0x2a: {  	[sflag:s13] =	ssyncset.done $0x0  }
0x2b: {  	[sflag:s13] =	ssyncadd.s32 $0xFFFFFF80  }
0x2c: {  	[tilespmem:s16], [sflag:$0x1] =	stream.indirect.gather [hbm4b:s5+s14], $0x10, s14, s14, $0xb8;
	[tilespmem:$0x5880] =	vst v63  }
0x2d: {  	_ =	swait.ge [sflag:s17], $0x800  }
0x2e: {  	[sflag:s17] =	ssyncset.done $0x0  }
0x2f: {  	s22 =	simm.s32 $0x200;
	[sflag:s17] =	ssyncadd.s32 $0xFFFFF800  }
0x30: {  	s25 =	simm.s32 $0x0;
	s24 =	simm.s32 $0x40;
	s23 =	simm.s32 $0x200;
	v1 =	vld [tilespmem:s22+$0xFFFFFFB0]  }
.LBB2_5:
0x31: {  	p0 =	sne.s32 s24, $0x1C0;
	v2 =	vld [tilespmem:s25+$0x100]  }
0x32: {  	v3 =	vld [tilespmem:s22+$0xFFFFFF90]  }
0x33: {  	v4 =	vld [tilespmem:s22+$0xFFFFFF80]  }
0x34: {  	v5 =	vld [tilespmem:s22+$0xFFFFFFA0]  }
0x35: {  	v6 =	vld [tilespmem:s22+$0xFFFFFFF0]  }
0x36: {  	v7 =	vbroadcast v2, $0x0;
	v8 =	vbroadcast v2, $0x1;
	v9 =	vld [tilespmem:s22+$0xFFFFFFD0]  }
0x37: {  	v10 =	vbroadcast v2, $0x2;
	v11 =	vbroadcast v2, $0x3;
	v12 =	vld [tilespmem:s22+$0xFFFFFFC0]  }
0x38: {  	v4 =	vmul.f32 v7, v4;
	v3 =	vmul.f32 v3, v8;
	v7 =	vld [tilespmem:s22+$0xFFFFFFE0]  }
0x39: {  	v1 =	vmul.f32 v1, v11;
	v5 =	vmul.f32 v5, v10;
	v8 =	vld [tilespmem:s22+$0x30]  }
0x3a: {  	v10 =	vbroadcast v2, $0x5;
	[tilespmem:s22+$0xFFFFFF80] =	vst v4;
	v4 =	vbroadcast v2, $0x4;
	v11 =	vld [tilespmem:s22+$0x10]  }
0x3b: {  	v13 =	vbroadcast v2, $0x7;
	[tilespmem:s22+$0xFFFFFF90] =	vst v3;
	v3 =	vbroadcast v2, $0x6;
	v14 =	vld [tilespmem:s22+$0x0]  }
0x3c: {  	[tilespmem:s22+$0xFFFFFFA0] =	vst v5;
	v4 =	vmul.f32 v12, v4;
	v5 =	vmul.f32 v9, v10;
	v9 =	vld [tilespmem:s22+$0x20]  }
0x3d: {  	[tilespmem:s22+$0xFFFFFFB0] =	vst v1;
	v1 =	vmul.f32 v7, v3;
	v3 =	vmul.f32 v6, v13;
	v6 =	vld [tilespmem:s22+$0x70]  }
0x3e: {  	v7 =	vbroadcast v2, $0x9;
	[tilespmem:s22+$0xFFFFFFC0] =	vst v4;
	v4 =	vbroadcast v2, $0x8;
	v10 =	vld [tilespmem:s22+$0x50]  }
0x3f: {  	v12 =	vbroadcast v2, $0xB;
	[tilespmem:s22+$0xFFFFFFD0] =	vst v5;
	v5 =	vbroadcast v2, $0xA;
	v13 =	vld [tilespmem:s22+$0x40]  }
0x40: {  	[tilespmem:s22+$0xFFFFFFE0] =	vst v1;
	v1 =	vmul.f32 v14, v4;
	v4 =	vmul.f32 v11, v7;
	v7 =	vld [tilespmem:s22+$0x60]  }
0x41: {  	[tilespmem:s22+$0xFFFFFFF0] =	vst v3;
	v3 =	vmul.f32 v9, v5;
	v5 =	vmul.f32 v8, v12  }
0x42: {  	v8 =	vbroadcast v2, $0xD;
	[tilespmem:s22+$0x0] =	vst v1;
	v1 =	vbroadcast v2, $0xC  }
0x43: {  	[tilespmem:s22+$0x10] =	vst v4;
	v4 =	vbroadcast v2, $0xE;
	v2 =	vbroadcast v2, $0xF  }
0x44: {  	[tilespmem:s22+$0x20] =	vst v3;
	v1 =	vmul.f32 v13, v1;
	v3 =	vmul.f32 v10, v8  }
.Ltmp1:
0x45: {  	[tilespmem:s22+$0x30] =	vst v5;
	v4 =	vmul.f32 v7, v4;
	v2 =	vmul.f32 v6, v2;
	(pc) =	sbr.rel @p0 .LBB2_5-.Ltmp1, $4  }
0x46: {  	[tilespmem:s22+$0x40] =	vst v1  }
0x47: {  	[tilespmem:s22+$0x50] =	vst v3  }
0x48: {  	s22 =	sadd.s32 $0x100, s22;
	[tilespmem:s23+$0x60] =	vst v4  }
0x49: {  	s25 =	sshra.s32 s24, $0x2;
	s24 =	sadd.s32 $0x40, s24;
	v1 =	vld [tilespmem:s22+$0xFFFFFFB0];
	[tilespmem:s23+$0x70] =	vst v2;
	s23 =	smov.u32 s22  }
0x4a: {  	v2 =	vld [tilespmem:s25+$0x100];
	_ =	sdelay $0x1  }
0x4b: {  	v3 =	vld [tilespmem:s22+$0xFFFFFF80]  }
0x4c: {  	v4 =	vld [tilespmem:s22+$0xFFFFFF90]  }
0x4d: {  	v5 =	vld [tilespmem:s22+$0xFFFFFFA0]  }
0x4e: {  	v6 =	vbroadcast v2, $0x0  }
0x4f: {  	v9 =	vld [tilespmem:s22+$0xFFFFFFD0];
	v7 =	vbroadcast v2, $0x1  }
0x50: {  	v8 =	vld [tilespmem:s22+$0xFFFFFFC0];
	v10 =	vbroadcast v2, $0x2;
	v3 =	vmul.f32 v6, v3  }
0x51: {  	v48 =	vld [tilespmem:s22+$0xFFFFFFE0];
	v47 =	vbroadcast v2, $0x3;
	v4 =	vmul.f32 v4, v7  }
0x52: {  	v51 =	vld [tilespmem:s22+$0x10];
	v49 =	vbroadcast v2, $0x5;
	v5 =	vmul.f32 v5, v10;
	[tilespmem:s22+$0xFFFFFF80] =	vst v3  }
0x53: {  	v11 =	vld [tilespmem:s22+$0xFFFFFFF0];
	v1 =	vmul.f32 v1, v47;
	v3 =	vbroadcast v2, $0x4;
	[tilespmem:s22+$0xFFFFFF90] =	vst v4  }
0x54: {  	v50 =	vld [tilespmem:s22+$0x0];
	v12 =	vbroadcast v2, $0x6;
	v6 =	vmul.f32 v9, v49;
	[tilespmem:s22+$0xFFFFFFA0] =	vst v5  }
0x55: {  	v56 =	vld [tilespmem:s22+$0x50];
	v54 =	vbroadcast v2, $0x9;
	[tilespmem:s22+$0xFFFFFFB0] =	vst v1;
	v3 =	vmul.f32 v8, v3  }
0x56: {  	v53 =	vld [tilespmem:s22+$0x20];
	v52 =	vbroadcast v2, $0x7;
	v7 =	vmul.f32 v48, v12;
	[tilespmem:s22+$0xFFFFFFD0] =	vst v6  }
0x57: {  	v59 =	vmul.f32 v51, v54;
	v1 =	vld [tilespmem:s22+$0x30];
	[tilespmem:s22+$0xFFFFFFC0] =	vst v3;
	v3 =	vbroadcast v2, $0x8  }
0x58: {  	v55 =	vld [tilespmem:s22+$0x40];
	v62 =	vbroadcast v2, $0xD;
	v5 =	vmul.f32 v11, v52;
	[tilespmem:s22+$0xFFFFFFE0] =	vst v7  }
0x59: {  	v60 =	vld [tilespmem:s22+$0x60];
	v57 =	vbroadcast v2, $0xA;
	[tilespmem:s22+$0x10] =	vst v59;
	v3 =	vmul.f32 v50, v3  }
0x5a: {  	v61 =	vld [tilespmem:s22+$0x70];
	v58 =	vbroadcast v2, $0xB;
	v4 =	vmul.f32 v56, v62;
	[tilespmem:s22+$0xFFFFFFF0] =	vst v5  }
0x5b: {  	v8 =	vmul.f32 v53, v57;
	[tilespmem:s22+$0x0] =	vst v3;
	v3 =	vbroadcast v2, $0xC  }
0x5c: {  	v63 =	vbroadcast v2, $0xE;
	[tilespmem:s22+$0x50] =	vst v4;
	v1 =	vmul.f32 v1, v58  }
0x5d: {  	[tilespmem:s22+$0x20] =	vst v8;
	v2 =	vbroadcast v2, $0xF;
	v3 =	vmul.f32 v55, v3  }
0x5e: {  	[tilespmem:s22+$0x30] =	vst v1;
	v1 =	vmul.f32 v60, v63  }
0x5f: {  	s21 =	sadd.s32 $0x1, s21;
	v2 =	vmul.f32 v61, v2;
	[tilespmem:s22+$0x40] =	vst v3  }
0x60: {  	p0 =	sne.s32 s21, s9;
	[tilespmem:s23+$0x60] =	vst v1  }
.Ltmp2:
0x61: {  	[tilespmem:s23+$0x70] =	vst v2;
	(pc) =	sbr.rel @p0 .LBB2_4-.Ltmp2, $4  }
0x62: {  	[spmem:s2] =	stream.indirect.scatter.add.f32 [tilespmem:s16], [sflag:$0x2], $0x10, s4, s14, $0xb8;
	[tilespmem:$0x5880] =	vst v63  }
0x63: {  	_ =	swait.ge [sflag:s13], $0x800  }
0x64: {  	[sflag:s13] =	ssyncset.done $0x0  }
0x65: {  	[sflag:s13] =	ssyncadd.s32 $0xFFFFF800  }
0x66: {  	s19 =	sadd.s32 $0x1, s19  }
0x67: {  	p0 =	sne.s32 s19, s11  }
.Ltmp3:
0x68: {  	[bflag:$0x0] =	sbarrier.arrive $0xFFFF;
	s20 =	sshrl.u32 s7, $0x3;
	(pc) =	sbr.rel @p0 .LBB2_1-.Ltmp3, $4  }
0x69: {  	[hbm:s10], [sflag:s18] =	dma.local [spmem:s20], $0x4F0  }
0x6a: {  	_ =	swait.ge [sflag:s13], $0x4F0  }
0x6b: {  	[sflag:s13] =	ssyncset.done $0x0  }
0x6c: {  	[sflag:s13] =	ssyncadd.s32 $0xFFFFFB10  }
0x6d: {  	_ =	sfence.sel $0x180000  }
0x6e: {  	[bflag:$0x0] =	sbarrier.arrive $0xFFFF  }
0x6f: {  	p0 =	sne.s32 s3, $0x0;
	_ =	strace $0x9000004A  }
0x70: {  	s0 =	sadd.s32 @!p0 $0x100000, s0;
	[bflag:$0x2] =	sbarrier.arrive $0xFFFF  }
0x71: {  	[sflag:s0] =	ssyncadd.tile.s32 @!p0 $0x1;
	_ =	shalt  }
.Lfunc_end2:
_tile_overlayer_lowered:
.L_overlay_start_2:
0x72: {  	(tag) =	ssettag $0x2  }
0x73: {  	s0 =	rddreg [dreg:$0x0];
	s2 =	stileid.u32  }
0x74: {  	s1 =	rddreg [dreg:$0x1];
	p0 =	sne.s32 s2, $0x0  }
0x75: {  	s3 =	rddreg [dreg:$0x2];
	[bflag:$0x3] =	sbarrier.arrive $0xFFFF;
	s2 =	simm.s32 @!p0 $0x1C02  }
0x76: {  	[timem:s3], [sflag:s2] =	dma.local @!p0 [hbm:s0], s1  }
0x77: {  	s0 =	simm.s32 @!p0 $0x2  }
0x78: {  	_ =	swait.ge @!p0 [sflag:s0], s1  }
0x79: {  	s1 =	ssub.s32 @!p0 $0x0, s1;
	[sflag:s0] =	ssyncset.done @!p0 $0x0  }
0x7a: {  	[sflag:s0] =	ssyncadd.s32 @!p0 s1  }
0x7b: {  	[bflag:$0x3] =	sbarrier.arrive $0xFFFF  }
0x7c: {  	_ =	shalt  }

// kernel: kernel.7.cloned.1.call-start
scs
__scs_entry_jumppad:
0x0: {  	(pc) =	sbr.rel $0x88, $3  }
0x1: {  	(tag) =	ssettag $0x0;
	lr =	simm.s32 $0x1  }
0x2: {  	[smem:$0x3F96] =	sst lr;
	_ =	strace $0xD0000000  }
0x3: {  	_ = 	snop  }
0x4: {  	_ = 	snop  }
0x5: {  	_ = 	snop  }
0x6: {  	_ = 	snop  }
0x7: {  	_ = 	snop  }
__scs_overlays_trampoline_lowered:
0x8: {  	[smem:$0x3FA5] =	sst s0  }
0x9: {  	[smem:$0x3FA6] =	sst s1  }
0xa: {  	[smem:$0x3FA7] =	sst s2  }
0xb: {  	[smem:$0x3FA8] =	sst s3  }
0xc: {  	[smem:$0x3FA9] =	sst s4  }
0xd: {  	[smem:$0x3FAA] =	sst s5  }
0xe: {  	[smem:$0x3FAB] =	sst s6  }
0xf: {  	[smem:$0x3FAC] =	sst s7  }
0x10: {  	[smem:$0x3FAD] =	sst s8  }
0x11: {  	[smem:$0x3FAE] =	sst s9;
	s0 =	simm.s32 @!p0 $0x0  }
0x12: {  	s1 =	sld [smem:$0x3F94];
	s0 =	simm.s32 @p0 $0x1  }
0x13: {  	[smem:$0x3FAF] =	sst s0;
	s0 =	simm.s32 @!p1 $0x0  }
0x14: {  	s2 =	sld [smem:$0x3F93];
	s0 =	simm.s32 @p1 $0x1  }
0x15: {  	[smem:$0x3FB0] =	sst s0;
	s0 =	simm.s32 @!p2 $0x0  }
0x16: {  	s3 =	sld [smem:$0x3FDB];
	s0 =	simm.s32 @p2 $0x1  }
0x17: {  	s4 =	simm.s32 $0x1BF5;
	[smem:$0x3FB2] =	sst s0  }
0x18: {  	s0 =	sld [smem:$0x3F95];
	_ =	swait.ge [sflag:s4], $0x0  }
0x19: {  	s7 =	sld [smem:$0x3F96]  }
0x1a: {  	s8 =	sadd.s32 $0xFFFFE003, lr  }
0x1b: {  	s9 =	sadd.s32 $0xFFFFFEF7, lr;
	s5 =	simm.s32 $0xFFFFFFFF;
	p2 =	slt.u32 s8, $0xFFFFF086  }
0x1c: {  	p1 =	slt.u32 s9, $0xF7A;
	s5 =	simm.s32 @!p2 $0x0  }
0x1d: {  	s5 =	simm.s32 @p1 $0x1;
	p0 =	seq.s32 s7, s2  }
0x1e: {  	s7 =	smul.u32 @!p0 $0xF7A, s2;
	p2 =	seq.s32 @!p0 s5, $0x0  }
0x1f: {  	s9 =	smul.u32 $0xF7A, s1;
	s8 =	simm.s32 @!p0 $0x1BF5;
	p2 =	por !p2, p0  }
0x20: {  	[sflag:s8] =	ssyncset.s32 @!p0 $0xFFFFF086;
	s6 =	sadd.s32 @!p0 s3, s7;
	s7 =	simm.s32 @!p0 $0x108  }
0x21: {  	s3 =	sadd.s32 s3, s9;
	s6 =	sadd.s32 @!p0 $0x88, s6;
	s7 =	simm.s32 @p2 $0x1082  }
0x22: {  	[simem:s7], [sflag:s8] =	dma.local @!p0 [hbm:s6], $0xF7A  }
0x23: {  	s9 =	sor.u32 $0xD0000000, s2;
	s6 =	simm.s32 $0x108;
	_ =	swait.ge @!p0 [sflag:s8], $0x0  }
0x24: {  	s3 =	sadd.s32 $0x88, s3;
	s6 =	simm.s32 @!p1 $0x1082;
	[sflag:s4] =	ssyncset.s32 $0xFFFFF086  }
0x25: {  	[simem:s6], [sflag:s4] =	dma.local [hbm:s3], $0xF7A  }
0x26: {  	[smem:$0x3F96] =	sst s1;
	(tag) =	ssettag s2;
	_ =	strace s9  }
0x27: {  	s1 =	sld [smem:$0x3FA6]  }
0x28: {  	s2 =	sld [smem:$0x3FA7]  }
0x29: {  	s4 =	sld [smem:$0x3FA9]  }
0x2a: {  	p0 =	seq.s32 s5, $0x0;
	s5 =	sld [smem:$0x3FAA]  }
0x2b: {  	s6 =	sld [smem:$0x3FAB]  }
0x2c: {  	s7 =	sld [smem:$0x3FAC]  }
0x2d: {  	s3 =	simm.s32 $0x108;
	s8 =	sld [smem:$0x3FAD]  }
0x2e: {  	s3 =	simm.s32 @!p0 $0x1082;
	s9 =	sld [smem:$0x3FAE]  }
0x2f: {  	lr =	sadd.s32 s0, s3;
	s0 =	sld [smem:$0x3FA5]  }
0x30: {  	s3 =	sld [smem:$0x3FA8]  }
0x31: {  	[smem:$0x3FB1] =	sst s10  }
0x32: {  	s10 =	sld [smem:$0x3FAF];
	_ =	sdelay $0x3  }
0x33: {  	p0 =	seq.s32 s10, $0x1;
	s10 =	sld [smem:$0x3FB1];
	_ =	sdelay $0x3  }
0x34: {  	[smem:$0x3FB1] =	sst s10  }
0x35: {  	s10 =	sld [smem:$0x3FB0];
	_ =	sdelay $0x3  }
0x36: {  	p1 =	seq.s32 s10, $0x1;
	s10 =	sld [smem:$0x3FB1];
	_ =	sdelay $0x3  }
0x37: {  	[smem:$0x3FB1] =	sst s10  }
0x38: {  	s10 =	sld [smem:$0x3FB2]  }
0x39: {  	_ = 	snop;
	(pc) =	sbr.ind lr, $3  }
0x3a: {  	_ = 	snop  }
0x3b: {  	_ = 	snop  }
0x3c: {  	p2 =	seq.s32 s10, $0x1;
	s10 =	sld [smem:$0x3FB1]  }
0x3d: {  	_ =	shalt  }
0x3e: {  	_ =	shalt  }
0x3f: {  	_ =	shalt  }
0x40: {  	_ =	shalt  }
0x41: {  	_ =	shalt  }
0x42: {  	_ =	shalt  }
0x43: {  	_ =	shalt  }
0x44: {  	_ =	shalt  }
0x45: {  	_ =	shalt  }
0x46: {  	_ =	shalt  }
0x47: {  	_ =	shalt  }
0x48: {  	_ =	shalt  }
0x49: {  	_ =	shalt  }
0x4a: {  	_ =	shalt  }
0x4b: {  	_ =	shalt  }
0x4c: {  	_ =	shalt  }
0x4d: {  	_ =	shalt  }
0x4e: {  	_ =	shalt  }
0x4f: {  	_ =	shalt  }
0x50: {  	_ =	shalt  }
0x51: {  	_ =	shalt  }
0x52: {  	_ =	shalt  }
0x53: {  	_ =	shalt  }
0x54: {  	_ =	shalt  }
0x55: {  	_ =	shalt  }
0x56: {  	_ =	shalt  }
0x57: {  	_ =	shalt  }
0x58: {  	_ =	shalt  }
0x59: {  	_ =	shalt  }
0x5a: {  	_ =	shalt  }
0x5b: {  	_ =	shalt  }
0x5c: {  	_ =	shalt  }
0x5d: {  	_ =	shalt  }
0x5e: {  	_ =	shalt  }
0x5f: {  	_ =	shalt  }
0x60: {  	_ =	shalt  }
0x61: {  	_ =	shalt  }
0x62: {  	_ =	shalt  }
0x63: {  	_ =	shalt  }
0x64: {  	_ =	shalt  }
0x65: {  	_ =	shalt  }
0x66: {  	_ =	shalt  }
0x67: {  	_ =	shalt  }
0x68: {  	_ =	shalt  }
0x69: {  	_ =	shalt  }
0x6a: {  	_ =	shalt  }
0x6b: {  	_ =	shalt  }
0x6c: {  	_ =	shalt  }
0x6d: {  	_ =	shalt  }
0x6e: {  	_ =	shalt  }
0x6f: {  	_ =	shalt  }
0x70: {  	_ =	shalt  }
0x71: {  	_ =	shalt  }
0x72: {  	_ =	shalt  }
0x73: {  	_ =	shalt  }
0x74: {  	_ =	shalt  }
0x75: {  	_ =	shalt  }
0x76: {  	_ =	shalt  }
0x77: {  	_ =	shalt  }
0x78: {  	_ =	shalt  }
0x79: {  	_ =	shalt  }
0x7a: {  	_ =	shalt  }
0x7b: {  	_ =	shalt  }
0x7c: {  	_ =	shalt  }
0x7d: {  	_ =	shalt  }
0x7e: {  	_ =	shalt  }
0x7f: {  	_ =	shalt  }
0x80: {  	_ =	shalt  }
0x81: {  	_ =	shalt  }
0x82: {  	_ =	shalt  }
0x83: {  	_ =	shalt  }
0x84: {  	_ =	shalt  }
0x85: {  	_ =	shalt  }
0x86: {  	_ =	shalt  }
0x87: {  	_ =	shalt  }
.Lfunc_end0:
.L_simem_size_0:
called_computation_lowered:
.L_overlay_start_0:
0x88: {  	s2 =	sld [smem:$0x3FD9]  }
0x89: {  	s3 =	sld [smem:$0x3FFE];
	_ =	sdelay $0x1  }
0x8a: {  	s1 =	srdreg.scid  }
0x8b: {  	s0 =	sand.u32 $0x1, s1  }
0x8c: {  	s17 =	sshll.u32 s0, $0xA;
	s2 =	sadd.s32 s3, s2  }
0x8d: {  	s2 =	sadd.s32 s2, s17  }
0x8e: {  	[smem:$0x3FBD] =	sst s2  }
0x8f: {  	_ = 	snop  }
0x90: {  	s2 =	sld [smem:$0x3FC7]  }
0x91: {  	s18 =	sld [smem:$0x3FD0];
	(tm) =	ssettm $0x1  }
0x92: {  	s4 =	sld [smem:$0x3FFB];
	_ =	sdelay $0x3  }
0x93: {  	_ =	strace s4  }
0x94: {  	s4 =	sld [smem:$0x3FFC];
	_ =	sdelay $0x3  }
0x95: {  	_ =	strace s4  }
0x96: {  	s4 =	sld [smem:$0x3FFD];
	_ =	sdelay $0x3  }
0x97: {  	_ =	strace s4  }
0x98: {  	_ =	strace $0x8FFFFFFF  }
0x99: {  	s19 =	sld [smem:$0x3FDB];
	_ =	sdelay $0x1  }
0x9a: {  	s5 =	simm.s32 $_scs_section_size  }
0x9b: {  	s6 =	simm.s32 $_size__tile_overlayer_lowered;
	s7 =	simm.s32 $_tile_overlayer_lowered  }
0x9c: {  	s22 =	simm.s32 $0x1BFF;
	s21 =	sshll.u32 s7, $0x1;
	s4 =	sadd.s32 s5, s19  }
0x9d: {  	s8 =	simm.s32 $0x0;
	s20 =	sshll.u32 s6, $0x1;
	s6 =	sadd.s32 s21, s4  }
0x9e: {  	[timem:s8], [sflag:s22] =	dma.local [hbm:s6], s20  }
0x9f: {  	_ =	swait.ge [sflag:s22], s20  }
0xa0: {  	s5 =	ssub.s32 $0x0, s20;
	[sflag:s22] =	ssyncset.done $0x0  }
0xa1: {  	[sflag:s22] =	ssyncadd.s32 s5;
	_ =	sdelay $0x1  }
0xa2: {  	s23 =	simm.s32 $0x1B8B  }
0xa3: {  	_ =	swait.ge [sflag:s23], $0x1  }
0xa4: {  	[sflag:s23] =	ssyncset.done $0x0  }
0xa5: {  	s25 =	simm.s32 $0x1B8E;
	s24 =	sld [smem:$0x3FFE];
	[sflag:s23] =	ssyncadd.s32 $0xFFFFFFFF  }
0xa6: {  	s26 =	simm.s32 $execute0_lowered;
	[smem:$0x3FD2] =	sst s25  }
0xa7: {  	s6 =	sshll.u32 s26, $0x1;
	_ =	strace $0x80000046;
	[dreg:$0x1] =	wrdreg $0xFFFFFFFF  }
0xa8: {  	s28 =	simm.s32 $_size_execute0_lowered;
	s4 =	sadd.s32 s4, s6;
	[dreg:$0x0] =	wrdreg $0x0  }
0xa9: {  	s6 =	sshll.u32 s28, $0x1;
	[dreg:$0x2] =	wrdreg s4  }
0xaa: {  	[dreg:$0x3] =	wrdreg s6  }
0xab: {  	[dreg:$0x4] =	wrdreg $0xC0  }
0xac: {  	_ =	task [dreg:s8], $0x5FFFF  }
0xad: {  	[dreg:$0x1] =	wrdreg $0xFFFFFFFF  }
0xae: {  	[dreg:$0x0] =	wrdreg $0x60  }
0xaf: {  	[dreg:$0x2] =	wrdreg s24  }
0xb0: {  	[dreg:$0x3] =	wrdreg s2  }
0xb1: {  	[dreg:$0x4] =	wrdreg s18  }
0xb2: {  	[dreg:$0x5] =	wrdreg $0x31000  }
0xb3: {  	[dreg:$0x6] =	wrdreg $0x9  }
0xb4: {  	_ =	task.clear_ibuf [dreg:s8], $0x7FFFF;
	_ =	strace $0x90000046  }
0xb5: {  	s29 =	simm.s32 $0x9;
	_ =	strace $0x80000048  }
0xb6: {  	_ =	swait.ge [sflag:s29], $0x1  }
0xb7: {  	[sflag:s29] =	ssyncadd.s32 $0xFFFFFFFF  }
0xb8: {  	_ =	strace $0x90000048  }
0xb9: {  	_ =	sfence  }
0xba: {  	s30 =	sld [smem:$0x0];
	_ =	sdelay $0x2  }
0xbb: {  	s31 =	sshll.u32 s1, $0xD;
	s1 =	sshrl.u32 s1, $0x2  }
0xbc: {  	s3 =	sand.u32 $0x4000, s31;
	s1 =	sadd.s32 s1, s30  }
0xbd: {  	s0 =	sor.u32 s3, s0;
	s1 =	sshll.u32 s1, $0x11  }
0xbe: {  	s0 =	sor.u32 s1, s0  }
0xbf: {  	s0 =	sadd.s32 $0x8F2B, s0  }
0xc0: {  	[sflag:s0] =	ssyncadd.remote.s32 $0x1  }
0xc1: {  	_ =	sfence.sel $0xFFFF  }
0xc2: {  	[dreg:$0x0] =	wrdreg $0xFFFFFFFF;
	(pc) =	sbr.abs _section_cstart, $3  }
0xc3: {  	[dreg:$0x1] =	wrdreg $0xFFFFFFFF  }
0xc4: {  	_ =	task.clear_ibuf [dreg:s8], $0x2FFFF;
	_ =	strace $0x9FFFFFFF  }
0xc5: {  	(tm) =	ssettm $0x7FFFFFFF  }
tec
execute0_lowered:
.L_overlay_start_1:
0x0: {  	(tag) =	ssettag $0x1  }
0x1: {  	s6 =	rddreg [dreg:$0x0]  }
0x2: {  	s1 =	rddreg [dreg:$0x1]  }
0x3: {  	s10 =	rddreg [dreg:$0x2]  }
0x4: {  	s2 =	rddreg [dreg:$0x3]  }
0x5: {  	s3 =	srdreg.scid;
	s0 =	rddreg [dreg:$0x4];
	s4 =	simm.s32 $0x0  }
0x6: {  	s15 =	simm.s32 $0x100;
	s16 =	simm.s32 $0x180;
	s17 =	simm.s32 $0x1  }
0x7: {  	s19 =	simm.s32 $0x0;
	s7 =	sand.u32 $0x1, s3;
	s3 =	stileid.u32  }
0x8: {  	[smem:$0x7FF] =	sst s4;
	s5 =	sshll.u32 s7, $0x4;
	s11 =	smul.u32 $0x2780, s3  }
0x9: {  	_ =	strace $0x80000047;
	s8 =	ssub.s32 $0x2, s7;
	s14 =	smul.u32 $0x27800, s7  }
0xa: {  	s18 =	sshll.u32 s3, $0x6;
	s9 =	sor.u32 s3, s5;
	s5 =	sadd.s32 $0x15600, s6  }
0xb: {  	s13 =	sshrl.u32 s8, $0x1;
	s6 =	sadd.s32 $0x1C00, s6;
	s18 =	sor.u32 $0x1C02, s18  }
0xc: {  	s12 =	smul.u32 $0x4E, s9;
	s13 =	ssub.s32 s8, s13;
	s31 =	smin.u32 s9, $0x4  }
0xd: {  	s7 =	sadd.s32 s11, s2;
	s11 =	sadd.s32 s11, s14;
	p0 =	slt.u32 s9, $0x4  }
0xe: {  	s9 =	simm.s32 $0x4F;
	s14 =	simm.s32 $0x80;
	s11 =	sshrl.u32 s11, $0x3  }
0xf: {  	s9 =	simm.s32 @!p0 $0x4E;
	s8 =	sadd.s32 s31, s12;
	s10 =	sadd.s32 s10, s11  }
0x10: {  	v0 =	vimm.f32 $0.0e+00;
	s11 =	smax.u32 s13, $0x1;
	s12 =	simm.s32 $0x980;
	s13 =	simm.s32 $0x2  }
.LBB2_1:
0x11: {  	s20 =	simm.s32 $0x40;
	s21 =	simm.s32 $0x0  }
.LBB2_2:
0x12: {  	p0 =	sne.s32 s20, $0x9DC0;
	[tilespmem:s21+$0x980] =	vst v0;
	s21 =	smov.u32 s20;
	s20 =	sadd.s32 $0x40, s20  }
.Ltmp0:
0x13: {  	(pc) =	sbr.rel @p0 .LBB2_2-.Ltmp0, $2  }
0x14: {  	_ =	sdelay $0x2  }
0x15: {  	s21 =	sshra.s32 s21, $0x2  }
0x16: {  	[tilespmem:s21+$0x980] =	vst v0  }
0x17: {  	[spmem:s7] =	stream.linear.scatter [tilespmem:s12], [sflag:$0x2], $0x2780, $0x38;
	[tilespmem:$0x5880] =	vst v63  }
0x18: {  	_ =	swait.ge [sflag:s13], $0x2780  }
0x19: {  	[sflag:s13] =	ssyncset.done $0x0  }
0x1a: {  	[sflag:s13] =	ssyncadd.s32 $0xFFFFD880  }
0x1b: {  	s20 =	simm.s32 $0x0;
	s21 =	simm.s32 $0x0;
	[bflag:$0x0] =	sbarrier.arrive $0xFFFF  }
.LBB2_4:
0x1c: {  	s22 =	sadd.s32 s21, s8  }
0x1d: {  	s22 =	sshll.u32 s22, $0x4  }
0x1e: {  	s22 =	sand.u32 $0x1FFFFFF0, s22  }
0x1f: {  	s23 =	sadd.s32 s6, s22  }
0x20: {  	[tilespmem:s20], [sflag:$0x2] =	stream.linear.gather [hbm4b:s23+s20], $0x80, $0x38;
	[tilespmem:$0x5880] =	vst v63  }
0x21: {  	_ =	swait.ge [sflag:s13], $0x80  }
0x22: {  	[sflag:s13] =	ssyncset.done $0x0  }
0x23: {  	s23 =	sadd.s32 $0x9C40, s23;
	[sflag:s13] =	ssyncadd.s32 $0xFFFFFF80  }
0x24: {  	[tilespmem:s14], [sflag:$0x2] =	stream.linear.gather [hbm4b:s23+s20], $0x80, $0x38;
	[tilespmem:$0x5880] =	vst v63  }
0x25: {  	_ =	swait.ge [sflag:s13], $0x80  }
0x26: {  	[sflag:s13] =	ssyncset.done $0x0  }
0x27: {  	s22 =	sadd.s32 s1, s22;
	[sflag:s13] =	ssyncadd.s32 $0xFFFFFF80  }
0x28: {  	[tilespmem:s15], [sflag:$0x2] =	stream.linear.gather [hbm4b:s22+s20], $0x80, $0x38;
	[tilespmem:$0x5880] =	vst v63  }
0x29: {  	_ =	swait.ge [sflag:s13], $0x80  }
0x2a: {  	[sflag:s13] =	ssyncset.done $0x0  }
0x2b: {  	[sflag:s13] =	ssyncadd.s32 $0xFFFFFF80  }
0x2c: {  	[tilespmem:s16], [sflag:$0x1] =	stream.indirect.gather [hbm4b:s5+s14], $0x10, s14, s14, $0xb8;
	[tilespmem:$0x5880] =	vst v63  }
0x2d: {  	_ =	swait.ge [sflag:s17], $0x800  }
0x2e: {  	[sflag:s17] =	ssyncset.done $0x0  }
0x2f: {  	s22 =	simm.s32 $0x200;
	[sflag:s17] =	ssyncadd.s32 $0xFFFFF800  }
0x30: {  	s25 =	simm.s32 $0x0;
	s24 =	simm.s32 $0x40;
	s23 =	simm.s32 $0x200;
	v1 =	vld [tilespmem:s22+$0xFFFFFFB0]  }
.LBB2_5:
0x31: {  	p0 =	sne.s32 s24, $0x1C0;
	v2 =	vld [tilespmem:s25+$0x100]  }
0x32: {  	v3 =	vld [tilespmem:s22+$0xFFFFFF90]  }
0x33: {  	v4 =	vld [tilespmem:s22+$0xFFFFFF80]  }
0x34: {  	v5 =	vld [tilespmem:s22+$0xFFFFFFA0]  }
0x35: {  	v6 =	vld [tilespmem:s22+$0xFFFFFFF0]  }
0x36: {  	v7 =	vbroadcast v2, $0x0;
	v8 =	vbroadcast v2, $0x1;
	v9 =	vld [tilespmem:s22+$0xFFFFFFD0]  }
0x37: {  	v10 =	vbroadcast v2, $0x2;
	v11 =	vbroadcast v2, $0x3;
	v12 =	vld [tilespmem:s22+$0xFFFFFFC0]  }
0x38: {  	v4 =	vmul.f32 v7, v4;
	v3 =	vmul.f32 v3, v8;
	v7 =	vld [tilespmem:s22+$0xFFFFFFE0]  }
0x39: {  	v1 =	vmul.f32 v1, v11;
	v5 =	vmul.f32 v5, v10;
	v8 =	vld [tilespmem:s22+$0x30]  }
0x3a: {  	v10 =	vbroadcast v2, $0x5;
	[tilespmem:s22+$0xFFFFFF80] =	vst v4;
	v4 =	vbroadcast v2, $0x4;
	v11 =	vld [tilespmem:s22+$0x10]  }
0x3b: {  	v13 =	vbroadcast v2, $0x7;
	[tilespmem:s22+$0xFFFFFF90] =	vst v3;
	v3 =	vbroadcast v2, $0x6;
	v14 =	vld [tilespmem:s22+$0x0]  }
0x3c: {  	[tilespmem:s22+$0xFFFFFFA0] =	vst v5;
	v4 =	vmul.f32 v12, v4;
	v5 =	vmul.f32 v9, v10;
	v9 =	vld [tilespmem:s22+$0x20]  }
0x3d: {  	[tilespmem:s22+$0xFFFFFFB0] =	vst v1;
	v1 =	vmul.f32 v7, v3;
	v3 =	vmul.f32 v6, v13;
	v6 =	vld [tilespmem:s22+$0x70]  }
0x3e: {  	v7 =	vbroadcast v2, $0x9;
	[tilespmem:s22+$0xFFFFFFC0] =	vst v4;
	v4 =	vbroadcast v2, $0x8;
	v10 =	vld [tilespmem:s22+$0x50]  }
0x3f: {  	v12 =	vbroadcast v2, $0xB;
	[tilespmem:s22+$0xFFFFFFD0] =	vst v5;
	v5 =	vbroadcast v2, $0xA;
	v13 =	vld [tilespmem:s22+$0x40]  }
0x40: {  	[tilespmem:s22+$0xFFFFFFE0] =	vst v1;
	v1 =	vmul.f32 v14, v4;
	v4 =	vmul.f32 v11, v7;
	v7 =	vld [tilespmem:s22+$0x60]  }
0x41: {  	[tilespmem:s22+$0xFFFFFFF0] =	vst v3;
	v3 =	vmul.f32 v9, v5;
	v5 =	vmul.f32 v8, v12  }
0x42: {  	v8 =	vbroadcast v2, $0xD;
	[tilespmem:s22+$0x0] =	vst v1;
	v1 =	vbroadcast v2, $0xC  }
0x43: {  	[tilespmem:s22+$0x10] =	vst v4;
	v4 =	vbroadcast v2, $0xE;
	v2 =	vbroadcast v2, $0xF  }
0x44: {  	[tilespmem:s22+$0x20] =	vst v3;
	v1 =	vmul.f32 v13, v1;
	v3 =	vmul.f32 v10, v8  }
.Ltmp1:
0x45: {  	[tilespmem:s22+$0x30] =	vst v5;
	v4 =	vmul.f32 v7, v4;
	v2 =	vmul.f32 v6, v2;
	(pc) =	sbr.rel @p0 .LBB2_5-.Ltmp1, $4  }
0x46: {  	[tilespmem:s22+$0x40] =	vst v1  }
0x47: {  	[tilespmem:s22+$0x50] =	vst v3  }
0x48: {  	s22 =	sadd.s32 $0x100, s22;
	[tilespmem:s23+$0x60] =	vst v4  }
0x49: {  	s25 =	sshra.s32 s24, $0x2;
	s24 =	sadd.s32 $0x40, s24;
	v1 =	vld [tilespmem:s22+$0xFFFFFFB0];
	[tilespmem:s23+$0x70] =	vst v2;
	s23 =	smov.u32 s22  }
0x4a: {  	v2 =	vld [tilespmem:s25+$0x100];
	_ =	sdelay $0x1  }
0x4b: {  	v3 =	vld [tilespmem:s22+$0xFFFFFF80]  }
0x4c: {  	v4 =	vld [tilespmem:s22+$0xFFFFFF90]  }
0x4d: {  	v5 =	vld [tilespmem:s22+$0xFFFFFFA0]  }
0x4e: {  	v6 =	vbroadcast v2, $0x0  }
0x4f: {  	v9 =	vld [tilespmem:s22+$0xFFFFFFD0];
	v7 =	vbroadcast v2, $0x1  }
0x50: {  	v8 =	vld [tilespmem:s22+$0xFFFFFFC0];
	v10 =	vbroadcast v2, $0x2;
	v3 =	vmul.f32 v6, v3  }
0x51: {  	v48 =	vld [tilespmem:s22+$0xFFFFFFE0];
	v47 =	vbroadcast v2, $0x3;
	v4 =	vmul.f32 v4, v7  }
0x52: {  	v51 =	vld [tilespmem:s22+$0x10];
	v49 =	vbroadcast v2, $0x5;
	v5 =	vmul.f32 v5, v10;
	[tilespmem:s22+$0xFFFFFF80] =	vst v3  }
0x53: {  	v11 =	vld [tilespmem:s22+$0xFFFFFFF0];
	v1 =	vmul.f32 v1, v47;
	v3 =	vbroadcast v2, $0x4;
	[tilespmem:s22+$0xFFFFFF90] =	vst v4  }
0x54: {  	v50 =	vld [tilespmem:s22+$0x0];
	v12 =	vbroadcast v2, $0x6;
	v6 =	vmul.f32 v9, v49;
	[tilespmem:s22+$0xFFFFFFA0] =	vst v5  }
0x55: {  	v56 =	vld [tilespmem:s22+$0x50];
	v54 =	vbroadcast v2, $0x9;
	[tilespmem:s22+$0xFFFFFFB0] =	vst v1;
	v3 =	vmul.f32 v8, v3  }
0x56: {  	v53 =	vld [tilespmem:s22+$0x20];
	v52 =	vbroadcast v2, $0x7;
	v7 =	vmul.f32 v48, v12;
	[tilespmem:s22+$0xFFFFFFD0] =	vst v6  }
0x57: {  	v59 =	vmul.f32 v51, v54;
	v1 =	vld [tilespmem:s22+$0x30];
	[tilespmem:s22+$0xFFFFFFC0] =	vst v3;
	v3 =	vbroadcast v2, $0x8  }
0x58: {  	v55 =	vld [tilespmem:s22+$0x40];
	v62 =	vbroadcast v2, $0xD;
	v5 =	vmul.f32 v11, v52;
	[tilespmem:s22+$0xFFFFFFE0] =	vst v7  }
0x59: {  	v60 =	vld [tilespmem:s22+$0x60];
	v57 =	vbroadcast v2, $0xA;
	[tilespmem:s22+$0x10] =	vst v59;
	v3 =	vmul.f32 v50, v3  }
0x5a: {  	v61 =	vld [tilespmem:s22+$0x70];
	v58 =	vbroadcast v2, $0xB;
	v4 =	vmul.f32 v56, v62;
	[tilespmem:s22+$0xFFFFFFF0] =	vst v5  }
0x5b: {  	v8 =	vmul.f32 v53, v57;
	[tilespmem:s22+$0x0] =	vst v3;
	v3 =	vbroadcast v2, $0xC  }
0x5c: {  	v63 =	vbroadcast v2, $0xE;
	[tilespmem:s22+$0x50] =	vst v4;
	v1 =	vmul.f32 v1, v58  }
0x5d: {  	[tilespmem:s22+$0x20] =	vst v8;
	v2 =	vbroadcast v2, $0xF;
	v3 =	vmul.f32 v55, v3  }
0x5e: {  	[tilespmem:s22+$0x30] =	vst v1;
	v1 =	vmul.f32 v60, v63  }
0x5f: {  	s21 =	sadd.s32 $0x1, s21;
	v2 =	vmul.f32 v61, v2;
	[tilespmem:s22+$0x40] =	vst v3  }
0x60: {  	p0 =	sne.s32 s21, s9;
	[tilespmem:s23+$0x60] =	vst v1  }
.Ltmp2:
0x61: {  	[tilespmem:s23+$0x70] =	vst v2;
	(pc) =	sbr.rel @p0 .LBB2_4-.Ltmp2, $4  }
0x62: {  	[spmem:s2] =	stream.indirect.scatter.add.f32 [tilespmem:s16], [sflag:$0x2], $0x10, s4, s14, $0xb8;
	[tilespmem:$0x5880] =	vst v63  }
0x63: {  	_ =	swait.ge [sflag:s13], $0x800  }
0x64: {  	[sflag:s13] =	ssyncset.done $0x0  }
0x65: {  	[sflag:s13] =	ssyncadd.s32 $0xFFFFF800  }
0x66: {  	s19 =	sadd.s32 $0x1, s19  }
0x67: {  	p0 =	sne.s32 s19, s11  }
.Ltmp3:
0x68: {  	[bflag:$0x0] =	sbarrier.arrive $0xFFFF;
	s20 =	sshrl.u32 s7, $0x3;
	(pc) =	sbr.rel @p0 .LBB2_1-.Ltmp3, $4  }
0x69: {  	[hbm:s10], [sflag:s18] =	dma.local [spmem:s20], $0x4F0  }
0x6a: {  	_ =	swait.ge [sflag:s13], $0x4F0  }
0x6b: {  	[sflag:s13] =	ssyncset.done $0x0  }
0x6c: {  	[sflag:s13] =	ssyncadd.s32 $0xFFFFFB10  }
0x6d: {  	_ =	sfence.sel $0x180000  }
0x6e: {  	[bflag:$0x0] =	sbarrier.arrive $0xFFFF  }
0x6f: {  	p0 =	sne.s32 s3, $0x0;
	_ =	strace $0x90000047  }
0x70: {  	s0 =	sadd.s32 @!p0 $0x100000, s0;
	[bflag:$0x2] =	sbarrier.arrive $0xFFFF  }
0x71: {  	[sflag:s0] =	ssyncadd.tile.s32 @!p0 $0x1;
	_ =	shalt  }
.Lfunc_end2:
_tile_overlayer_lowered:
.L_overlay_start_2:
0x72: {  	(tag) =	ssettag $0x2  }
0x73: {  	s0 =	rddreg [dreg:$0x0];
	s2 =	stileid.u32  }
0x74: {  	s1 =	rddreg [dreg:$0x1];
	p0 =	sne.s32 s2, $0x0  }
0x75: {  	s3 =	rddreg [dreg:$0x2];
	[bflag:$0x3] =	sbarrier.arrive $0xFFFF;
	s2 =	simm.s32 @!p0 $0x1C02  }
0x76: {  	[timem:s3], [sflag:s2] =	dma.local @!p0 [hbm:s0], s1  }
0x77: {  	s0 =	simm.s32 @!p0 $0x2  }
0x78: {  	_ =	swait.ge @!p0 [sflag:s0], s1  }
0x79: {  	s1 =	ssub.s32 @!p0 $0x0, s1;
	[sflag:s0] =	ssyncset.done @!p0 $0x0  }
0x7a: {  	[sflag:s0] =	ssyncadd.s32 @!p0 s1  }
0x7b: {  	[bflag:$0x3] =	sbarrier.arrive $0xFFFF  }
0x7c: {  	_ =	shalt  }

</sc_bundles>
